<compile_context>
chip_gen: v7x
topology: tpu7x:2x2x1
jax: 0.10.2.dev20260603
libtpu: 0.0.44.dev20260713+nightly
codegen_flags: <defaults>
</compile_context>

<pallas_src>
import functools

import jax
import jax.numpy as jnp
from jax import lax
from jax.experimental import pallas as pl
from jax.experimental.pallas import tpu as pltpu
from jax.experimental.pallas import tpu_sc as plsc

_NC = 2
_NS = 16
_NW = _NC * _NS
_L = 16
_UNROLL = 2

_TH_CO = (1.947637334e-02, -9.259107687e-02, 2.116797744e-01,
          -3.424470462e-01, 5.060373501e-01, -8.486314227e-01,
          2.546477117e+00)
_AC_CO = (2.248699933e-02, -1.108194101e-01, 2.709229287e-01,
          -4.954871075e-01, 9.036750476e-01, -2.185714195e+00,
          1.599999795e+01)


def _poly(co, u):
    r = jnp.float32(co[0])
    for c in co[1:]:
        r = r * u + jnp.float32(c)
    return r


def _compute16(x, y, z):
    w = -z
    aa = jnp.abs(x)
    ab = jnp.abs(w)
    mx = jnp.maximum(jnp.maximum(aa, ab), jnp.float32(1e-30))
    t = jnp.minimum(aa, ab) / mx
    r = _poly(_TH_CO, t * t) * t
    r = jnp.where(aa > ab, jnp.float32(4.0) - r, r)
    r = jnp.where(w < 0, jnp.float32(8.0) - r, r)
    iy = jnp.where(x < 0, -r, r) + jnp.float32(7.5)

    ay = jnp.abs(y)
    u = jnp.maximum(jnp.float32(1.0) - ay, jnp.float32(1e-30))
    i = lax.bitcast_convert_type(u, jnp.int32)
    i = jnp.int32(0x5F3759DF) - lax.shift_right_logical(i, jnp.int32(1))
    h = lax.bitcast_convert_type(i, jnp.float32)
    uh = jnp.float32(0.5) * u
    h = h * (jnp.float32(1.5) - uh * h * h)
    h = h * (jnp.float32(1.5) - uh * h * h)
    r2 = (u * h) * _poly(_AC_CO, ay)
    r2 = jnp.where(y < 0, jnp.float32(32.0) - r2, r2)
    ix = r2 - jnp.float32(0.5)

    ix0 = (ix + jnp.float32(1.0)).astype(jnp.int32) - 1
    iy0 = (iy + jnp.float32(1.0)).astype(jnp.int32) - 1
    wx1 = ix - ix0.astype(jnp.float32)
    wy1 = iy - iy0.astype(jnp.float32)
    wx0 = jnp.float32(1.0) - wx1
    wy0 = jnp.float32(1.0) - wy1
    j = iy0 * 34 + ix0 + 35
    return j, (wy0 * wx0, wy0 * wx1, wy1 * wx0, wy1 * wx1)


def _sc_body(x_hbm, y_hbm, z_hbm, env_hbm, r_hbm, g_hbm, b_hbm,
             xv, yv, zv, tbl, rv, gv, bv, sem, npw):
    wid = lax.axis_index("s") * _NC + lax.axis_index("c")
    base = wid * npw
    cps = (pltpu.async_copy(env_hbm, tbl, sem),
           pltpu.async_copy(x_hbm.at[pl.ds(base, npw)], xv, sem),
           pltpu.async_copy(y_hbm.at[pl.ds(base, npw)], yv, sem),
           pltpu.async_copy(z_hbm.at[pl.ds(base, npw)], zv, sem))
    for c in cps:
        c.wait()

    @plsc.parallel_loop(0, npw // _L, 1, unroll=_UNROLL)
    def body(i):
        sl = pl.ds(i * _L, _L)
        j, (w00, w01, w10, w11) = _compute16(xv[sl], yv[sl], zv[sl])
        for out_ref, coff in ((rv, 0), (gv, 612), (bv, 1224)):
            jc = j + coff
            sm = (w00 * plsc.load_gather(tbl, [jc])
                  + w01 * plsc.load_gather(tbl, [jc + 1])
                  + w10 * plsc.load_gather(tbl, [jc + 34])
                  + w11 * plsc.load_gather(tbl, [jc + 35]))
            out_ref[sl] = jnp.exp(sm)

    ocps = (pltpu.async_copy(rv, r_hbm.at[pl.ds(base, npw)], sem),
            pltpu.async_copy(gv, g_hbm.at[pl.ds(base, npw)], sem),
            pltpu.async_copy(bv, b_hbm.at[pl.ds(base, npw)], sem))
    for c in ocps:
        c.wait()


def kernel(inputs, env_map):
    n = inputs.shape[0]
    npw = n // _NW
    xs = inputs[:, 0]
    ys = inputs[:, 1]
    zs = inputs[:, 2]
    env_pad = jnp.pad(env_map[0], ((0, 0), (1, 1), (1, 1))).reshape(-1)

    mesh = plsc.VectorSubcoreMesh(
        core_axis_name="c", subcore_axis_name="s",
        num_cores=_NC, num_subcores=_NS)
    out_t = jax.ShapeDtypeStruct((n,), jnp.float32)
    sc_call = pl.kernel(
        functools.partial(_sc_body, npw=npw),
        out_type=(out_t, out_t, out_t),
        mesh=mesh,
        compiler_params=pltpu.CompilerParams(needs_layout_passes=False),
        scratch_types=(
            pltpu.VMEM((npw,), jnp.float32),
            pltpu.VMEM((npw,), jnp.float32),
            pltpu.VMEM((npw,), jnp.float32),
            pltpu.VMEM((1836,), jnp.float32),
            pltpu.VMEM((npw,), jnp.float32),
            pltpu.VMEM((npw,), jnp.float32),
            pltpu.VMEM((npw,), jnp.float32),
            pltpu.SemaphoreType.DMA,
        ),
    )
    r, g, b = sc_call(xs, ys, zs, env_pad)
    return jnp.stack([r, g, b], axis=-1)

# --- scband reference (transcript-rebuilt; emitter-appended) ---
"""Pipeline reference for scband-ne-rfrenderer-91259465106036 (READ-ONLY COPY).

The authoritative reference and input builder live on the scoring server;
editing this copy changes nothing except your own understanding.
"""

import jax, jax.numpy as jnp
import numpy as np


def _grid_sample_bilinear(img, coords):
    # img: [C, H, W]; coords: [N, 2] with (x->width, y->height) in [-1, 1]
    # matches torch F.grid_sample(mode='bilinear', padding_mode='zeros', align_corners=False)
    C, H, W = img.shape
    x = coords[:, 0]
    y = coords[:, 1]
    ix = ((x + 1.0) * W - 1.0) / 2.0
    iy = ((y + 1.0) * H - 1.0) / 2.0
    ix0 = jnp.floor(ix)
    iy0 = jnp.floor(iy)
    ix1 = ix0 + 1.0
    iy1 = iy0 + 1.0
    wx1 = ix - ix0
    wx0 = 1.0 - wx1
    wy1 = iy - iy0
    wy0 = 1.0 - wy1

    def gather(iy_, ix_):
        valid = (ix_ >= 0) & (ix_ <= W - 1) & (iy_ >= 0) & (iy_ <= H - 1)
        ixc = jnp.clip(ix_, 0, W - 1).astype(jnp.int32)
        iyc = jnp.clip(iy_, 0, H - 1).astype(jnp.int32)
        v = img[:, iyc, ixc]  # [C, N] gather
        return v * valid.astype(img.dtype)[None, :]

    out = (gather(iy0, ix0) * (wy0 * wx0)[None, :]
           + gather(iy0, ix1) * (wy0 * wx1)[None, :]
           + gather(iy1, ix0) * (wy1 * wx0)[None, :]
           + gather(iy1, ix1) * (wy1 * wx1)[None, :])
    return out  # [C, N]


def setup_inputs(seed: int = 0):
    key = jax.random.key(seed)
    k1, k2 = jax.random.split(key)
    pts = jax.random.normal(k1, (32768, 3), dtype=jnp.float32)
    # hit points lie on the bounding sphere (bound=1): normalize
    pts = pts / (jnp.linalg.norm(pts, axis=-1, keepdims=True) + 1e-8)
    # learned parameter: env_map, initialized like torch.rand(1, 3, 16, 32)
    env_map = jax.random.uniform(k2, (1, 3, 16, 32), dtype=jnp.float32)
    return {"inputs": pts, "env_map": env_map}


def reference(inputs, env_map):
    # NeRFRenderer.sample_env_map
    x = inputs[..., 0]
    y = inputs[..., 1]
    z = inputs[..., 2]
    theta = (1.0 / np.pi) * jnp.nan_to_num(jnp.arctan2(x, -z))
    phi = 2.0 * (1.0 / np.pi) * jnp.nan_to_num(jnp.arccos(y)) - 1.0
    # torch builds grid of shape [1, N, 1, 2] with last dim (phi, theta) = (x_w, y_h)
    coords = jnp.stack([phi, theta], axis=-1)  # [N, 2]
    sampled = _grid_sample_bilinear(env_map[0], coords)  # [3, N]
    Le = jnp.exp(sampled.T)  # [N, 3]
    return Le

if __name__ == "__main__":
    import jax
    _d = setup_inputs()
    print(jax.jit(kernel)(*tuple(_d.values())))

</pallas_src>

<mosaic_0001>
#map = affine_map<(d0, d1) -> (0)>
module attributes {stable_mosaic.version = 14 : i64} {
  func.func @_sc_body(%arg0: i32, %arg1: i32, %arg2: memref<32768xf32, #tpu.memory_space<hbm>>, %arg3: memref<32768xf32, #tpu.memory_space<hbm>>, %arg4: memref<32768xf32, #tpu.memory_space<hbm>>, %arg5: memref<1836xf32, #tpu.memory_space<hbm>>, %arg6: memref<32768xf32, #tpu.memory_space<hbm>>, %arg7: memref<32768xf32, #tpu.memory_space<hbm>>, %arg8: memref<32768xf32, #tpu.memory_space<hbm>>, %arg9: memref<1024xf32, #tpu.memory_space<vmem>>, %arg10: memref<1024xf32, #tpu.memory_space<vmem>>, %arg11: memref<1024xf32, #tpu.memory_space<vmem>>, %arg12: memref<1836xf32, #tpu.memory_space<vmem>>, %arg13: memref<1024xf32, #tpu.memory_space<vmem>>, %arg14: memref<1024xf32, #tpu.memory_space<vmem>>, %arg15: memref<1024xf32, #tpu.memory_space<vmem>>, %arg16: memref<!tpu.dma_semaphore, #tpu.memory_space<semaphore_mem>>) attributes {dimension_semantics = [#tpu.dimension_semantics<core_parallel>, #tpu.dimension_semantics<subcore_parallel>], iteration_bounds = array<i64: 2, 16>, scalar_prefetch = 0 : i64, scratch_operands = 8 : i64, tpu.core_type = #tpu.core_type<sc_vector_subcore>, window_params = [{transform_indices = #map}, {transform_indices = #map}, {transform_indices = #map}, {transform_indices = #map}, {transform_indices = #map}, {transform_indices = #map}, {transform_indices = #map}]} {
    %mul3A = arith.constant 2 : i32
    %mul3A_0 = arith.muli %arg1, %mul3A : i32
    %add3A = arith.addi %mul3A_0, %arg0 : i32
    %mul3A_1 = arith.constant 1024 : i32
    %mul3A_2 = arith.muli %add3A, %mul3A_1 : i32
    tpu.enqueue_dma source(%arg5 : memref<1836xf32, #tpu.memory_space<hbm>>) target(%arg12 : memref<1836xf32, #tpu.memory_space<vmem>>) target_semaphore(%arg16 : memref<!tpu.dma_semaphore, #tpu.memory_space<semaphore_mem>>)
    %dma_start3A = tpu.memref_slice %arg2[%mul3A_2] : memref<32768xf32, #tpu.memory_space<hbm>> -> memref<1024xf32, #tpu.memory_space<hbm>>
    %dma_start3A_3 = tpu.memref_slice %arg2[%mul3A_2] : memref<32768xf32, #tpu.memory_space<hbm>> -> memref<1024xf32, #tpu.memory_space<hbm>>
    tpu.enqueue_dma source(%dma_start3A_3 : memref<1024xf32, #tpu.memory_space<hbm>>) target(%arg9 : memref<1024xf32, #tpu.memory_space<vmem>>) target_semaphore(%arg16 : memref<!tpu.dma_semaphore, #tpu.memory_space<semaphore_mem>>)
    %dma_start3A_4 = tpu.memref_slice %arg3[%mul3A_2] : memref<32768xf32, #tpu.memory_space<hbm>> -> memref<1024xf32, #tpu.memory_space<hbm>>
    %dma_start3A_5 = tpu.memref_slice %arg3[%mul3A_2] : memref<32768xf32, #tpu.memory_space<hbm>> -> memref<1024xf32, #tpu.memory_space<hbm>>
    tpu.enqueue_dma source(%dma_start3A_5 : memref<1024xf32, #tpu.memory_space<hbm>>) target(%arg10 : memref<1024xf32, #tpu.memory_space<vmem>>) target_semaphore(%arg16 : memref<!tpu.dma_semaphore, #tpu.memory_space<semaphore_mem>>)
    %dma_start3A_6 = tpu.memref_slice %arg4[%mul3A_2] : memref<32768xf32, #tpu.memory_space<hbm>> -> memref<1024xf32, #tpu.memory_space<hbm>>
    %dma_start3A_7 = tpu.memref_slice %arg4[%mul3A_2] : memref<32768xf32, #tpu.memory_space<hbm>> -> memref<1024xf32, #tpu.memory_space<hbm>>
    tpu.enqueue_dma source(%dma_start3A_7 : memref<1024xf32, #tpu.memory_space<hbm>>) target(%arg11 : memref<1024xf32, #tpu.memory_space<vmem>>) target_semaphore(%arg16 : memref<!tpu.dma_semaphore, #tpu.memory_space<semaphore_mem>>)
    tpu.wait_dma2 semaphore(%arg16 : memref<!tpu.dma_semaphore, #tpu.memory_space<semaphore_mem>>) src(%arg5 : memref<1836xf32, #tpu.memory_space<hbm>>) dst(%arg12 : memref<1836xf32, #tpu.memory_space<vmem>>)
    %dma_wait3A = tpu.memref_slice %arg2[%mul3A_2] : memref<32768xf32, #tpu.memory_space<hbm>> -> memref<1024xf32, #tpu.memory_space<hbm>>
    %dma_wait3A_8 = tpu.memref_slice %arg2[%mul3A_2] : memref<32768xf32, #tpu.memory_space<hbm>> -> memref<1024xf32, #tpu.memory_space<hbm>>
    tpu.wait_dma2 semaphore(%arg16 : memref<!tpu.dma_semaphore, #tpu.memory_space<semaphore_mem>>) src(%dma_wait3A_8 : memref<1024xf32, #tpu.memory_space<hbm>>) dst(%arg9 : memref<1024xf32, #tpu.memory_space<vmem>>)
    %dma_wait3A_9 = tpu.memref_slice %arg3[%mul3A_2] : memref<32768xf32, #tpu.memory_space<hbm>> -> memref<1024xf32, #tpu.memory_space<hbm>>
    %dma_wait3A_10 = tpu.memref_slice %arg3[%mul3A_2] : memref<32768xf32, #tpu.memory_space<hbm>> -> memref<1024xf32, #tpu.memory_space<hbm>>
    tpu.wait_dma2 semaphore(%arg16 : memref<!tpu.dma_semaphore, #tpu.memory_space<semaphore_mem>>) src(%dma_wait3A_10 : memref<1024xf32, #tpu.memory_space<hbm>>) dst(%arg10 : memref<1024xf32, #tpu.memory_space<vmem>>)
    %dma_wait3A_11 = tpu.memref_slice %arg4[%mul3A_2] : memref<32768xf32, #tpu.memory_space<hbm>> -> memref<1024xf32, #tpu.memory_space<hbm>>
    %dma_wait3A_12 = tpu.memref_slice %arg4[%mul3A_2] : memref<32768xf32, #tpu.memory_space<hbm>> -> memref<1024xf32, #tpu.memory_space<hbm>>
    tpu.wait_dma2 semaphore(%arg16 : memref<!tpu.dma_semaphore, #tpu.memory_space<semaphore_mem>>) src(%dma_wait3A_12 : memref<1024xf32, #tpu.memory_space<hbm>>) dst(%arg11 : memref<1024xf32, #tpu.memory_space<vmem>>)
    %parallel_loop3A = arith.constant 0 : i32
    %parallel_loop3A_13 = arith.constant 64 : i32
    %parallel_loop3A_14 = arith.constant 1 : i32
    scf.for %parallel_loop3A_27 = %parallel_loop3A to %parallel_loop3A_13 step %parallel_loop3A_14  : i32 {
      %parallel_loop3A_28 = arith.constant 16 : i32
      %parallel_loop3A_29 = arith.muli %parallel_loop3A_27, %parallel_loop3A_28 : i32
      %parallel_loop3A_30 = arith.index_cast %parallel_loop3A_29 : i32 to index
      %parallel_loop3A_31 = tpu.vector_load %arg9[%parallel_loop3A_30] {strides = array<i32>} : memref<1024xf32, #tpu.memory_space<vmem>>, vector<16xf32>,
      %parallel_loop3A_32 = arith.index_cast %parallel_loop3A_29 : i32 to index
      %parallel_loop3A_33 = tpu.vector_load %arg10[%parallel_loop3A_32] {strides = array<i32>} : memref<1024xf32, #tpu.memory_space<vmem>>, vector<16xf32>,
      %parallel_loop3A_34 = arith.index_cast %parallel_loop3A_29 : i32 to index
      %parallel_loop3A_35 = tpu.vector_load %arg11[%parallel_loop3A_34] {strides = array<i32>} : memref<1024xf32, #tpu.memory_space<vmem>>, vector<16xf32>,
      %parallel_loop3A_36 = arith.constant 0.000000e+00 : f32
      %parallel_loop3A_37 = vector.broadcast %parallel_loop3A_36 : f32 to vector<16xf32>
      %parallel_loop3A_38 = arith.subf %parallel_loop3A_37, %parallel_loop3A_35 : vector<16xf32>
      %parallel_loop3A_39 = math.absf %parallel_loop3A_31 : vector<16xf32>
      %parallel_loop3A_40 = math.absf %parallel_loop3A_38 : vector<16xf32>
      %parallel_loop3A_41 = arith.maximumf %parallel_loop3A_39, %parallel_loop3A_40 : vector<16xf32>
      %parallel_loop3A_42 = arith.constant 1.000000e-30 : f32
      %parallel_loop3A_43 = vector.broadcast %parallel_loop3A_42 : f32 to vector<16xf32>
      %parallel_loop3A_44 = arith.maximumf %parallel_loop3A_41, %parallel_loop3A_43 : vector<16xf32>
      %parallel_loop3A_45 = arith.minimumf %parallel_loop3A_39, %parallel_loop3A_40 : vector<16xf32>
      %parallel_loop3A_46 = arith.divf %parallel_loop3A_45, %parallel_loop3A_44 : vector<16xf32>
      %parallel_loop3A_47 = arith.mulf %parallel_loop3A_46, %parallel_loop3A_46 : vector<16xf32>
      %parallel_loop3A_48 = arith.constant 0.0194763727 : f32
      %parallel_loop3A_49 = vector.broadcast %parallel_loop3A_48 : f32 to vector<16xf32>
      %parallel_loop3A_50 = arith.mulf %parallel_loop3A_49, %parallel_loop3A_47 : vector<16xf32>
      %parallel_loop3A_51 = arith.constant -0.092591077 : f32
      %parallel_loop3A_52 = vector.broadcast %parallel_loop3A_51 : f32 to vector<16xf32>
      %parallel_loop3A_53 = arith.addf %parallel_loop3A_50, %parallel_loop3A_52 : vector<16xf32>
      %parallel_loop3A_54 = arith.mulf %parallel_loop3A_53, %parallel_loop3A_47 : vector<16xf32>
      %parallel_loop3A_55 = arith.constant 0.211679772 : f32
      %parallel_loop3A_56 = vector.broadcast %parallel_loop3A_55 : f32 to vector<16xf32>
      %parallel_loop3A_57 = arith.addf %parallel_loop3A_54, %parallel_loop3A_56 : vector<16xf32>
      %parallel_loop3A_58 = arith.mulf %parallel_loop3A_57, %parallel_loop3A_47 : vector<16xf32>
      %parallel_loop3A_59 = arith.constant -0.342447042 : f32
      %parallel_loop3A_60 = vector.broadcast %parallel_loop3A_59 : f32 to vector<16xf32>
      %parallel_loop3A_61 = arith.addf %parallel_loop3A_58, %parallel_loop3A_60 : vector<16xf32>
      %parallel_loop3A_62 = arith.mulf %parallel_loop3A_61, %parallel_loop3A_47 : vector<16xf32>
      %parallel_loop3A_63 = arith.constant 0.506037354 : f32
      %parallel_loop3A_64 = vector.broadcast %parallel_loop3A_63 : f32 to vector<16xf32>
      %parallel_loop3A_65 = arith.addf %parallel_loop3A_62, %parallel_loop3A_64 : vector<16xf32>
      %parallel_loop3A_66 = arith.mulf %parallel_loop3A_65, %parallel_loop3A_47 : vector<16xf32>
      %parallel_loop3A_67 = arith.constant -0.848631441 : f32
      %parallel_loop3A_68 = vector.broadcast %parallel_loop3A_67 : f32 to vector<16xf32>
      %parallel_loop3A_69 = arith.addf %parallel_loop3A_66, %parallel_loop3A_68 : vector<16xf32>
      %parallel_loop3A_70 = arith.mulf %parallel_loop3A_69, %parallel_loop3A_47 : vector<16xf32>
      %parallel_loop3A_71 = arith.constant 2.54647708 : f32
      %parallel_loop3A_72 = vector.broadcast %parallel_loop3A_71 : f32 to vector<16xf32>
      %parallel_loop3A_73 = arith.addf %parallel_loop3A_70, %parallel_loop3A_72 : vector<16xf32>
      %parallel_loop3A_74 = arith.mulf %parallel_loop3A_73, %parallel_loop3A_46 : vector<16xf32>
      %parallel_loop3A_75 = arith.cmpf ogt, %parallel_loop3A_39, %parallel_loop3A_40 : vector<16xf32>
      %parallel_loop3A_76 = arith.constant 4.000000e+00 : f32
      %parallel_loop3A_77 = vector.broadcast %parallel_loop3A_76 : f32 to vector<16xf32>
      %parallel_loop3A_78 = arith.subf %parallel_loop3A_77, %parallel_loop3A_74 : vector<16xf32>
      %parallel_loop3A_79 = arith.select %parallel_loop3A_75, %parallel_loop3A_78, %parallel_loop3A_74 : vector<16xi1>, vector<16xf32>
      %parallel_loop3A_80 = arith.constant 0.000000e+00 : f32
      %parallel_loop3A_81 = vector.broadcast %parallel_loop3A_80 : f32 to vector<16xf32>
      %parallel_loop3A_82 = arith.cmpf olt, %parallel_loop3A_38, %parallel_loop3A_81 : vector<16xf32>
      %parallel_loop3A_83 = arith.constant 8.000000e+00 : f32
      %parallel_loop3A_84 = vector.broadcast %parallel_loop3A_83 : f32 to vector<16xf32>
      %parallel_loop3A_85 = arith.subf %parallel_loop3A_84, %parallel_loop3A_79 : vector<16xf32>
      %parallel_loop3A_86 = arith.select %parallel_loop3A_82, %parallel_loop3A_85, %parallel_loop3A_79 : vector<16xi1>, vector<16xf32>
      %parallel_loop3A_87 = arith.constant 0.000000e+00 : f32
      %parallel_loop3A_88 = vector.broadcast %parallel_loop3A_87 : f32 to vector<16xf32>
      %parallel_loop3A_89 = arith.cmpf olt, %parallel_loop3A_31, %parallel_loop3A_88 : vector<16xf32>
      %parallel_loop3A_90 = arith.constant 0.000000e+00 : f32
      %parallel_loop3A_91 = vector.broadcast %parallel_loop3A_90 : f32 to vector<16xf32>
      %parallel_loop3A_92 = arith.subf %parallel_loop3A_91, %parallel_loop3A_86 : vector<16xf32>
      %parallel_loop3A_93 = arith.select %parallel_loop3A_89, %parallel_loop3A_92, %parallel_loop3A_86 : vector<16xi1>, vector<16xf32>
      %parallel_loop3A_94 = arith.constant 7.500000e+00 : f32
      %parallel_loop3A_95 = vector.broadcast %parallel_loop3A_94 : f32 to vector<16xf32>
      %parallel_loop3A_96 = arith.addf %parallel_loop3A_93, %parallel_loop3A_95 : vector<16xf32>
      %parallel_loop3A_97 = math.absf %parallel_loop3A_33 : vector<16xf32>
      %parallel_loop3A_98 = arith.constant 1.000000e+00 : f32
      %parallel_loop3A_99 = vector.broadcast %parallel_loop3A_98 : f32 to vector<16xf32>
      %parallel_loop3A_100 = arith.subf %parallel_loop3A_99, %parallel_loop3A_97 : vector<16xf32>
      %parallel_loop3A_101 = arith.constant 1.000000e-30 : f32
      %parallel_loop3A_102 = vector.broadcast %parallel_loop3A_101 : f32 to vector<16xf32>
      %parallel_loop3A_103 = arith.maximumf %parallel_loop3A_100, %parallel_loop3A_102 : vector<16xf32>
      %parallel_loop3A_104 = tpu.bitcast %parallel_loop3A_103 : vector<16xf32> -> vector<16xi32>
      %parallel_loop3A_105 = arith.constant 1 : i32
      %parallel_loop3A_106 = vector.broadcast %parallel_loop3A_105 : i32 to vector<16xi32>
      %parallel_loop3A_107 = arith.shrui %parallel_loop3A_104, %parallel_loop3A_106 : vector<16xi32>
      %parallel_loop3A_108 = arith.constant 1597463007 : i32
      %parallel_loop3A_109 = vector.broadcast %parallel_loop3A_108 : i32 to vector<16xi32>
      %parallel_loop3A_110 = arith.subi %parallel_loop3A_109, %parallel_loop3A_107 : vector<16xi32>
      %parallel_loop3A_111 = tpu.bitcast %parallel_loop3A_110 : vector<16xi32> -> vector<16xf32>
      %parallel_loop3A_112 = arith.constant 5.000000e-01 : f32
      %parallel_loop3A_113 = vector.broadcast %parallel_loop3A_112 : f32 to vector<16xf32>
      %parallel_loop3A_114 = arith.mulf %parallel_loop3A_113, %parallel_loop3A_103 : vector<16xf32>
      %parallel_loop3A_115 = arith.mulf %parallel_loop3A_114, %parallel_loop3A_111 : vector<16xf32>
      %parallel_loop3A_116 = arith.mulf %parallel_loop3A_115, %parallel_loop3A_111 : vector<16xf32>
      %parallel_loop3A_117 = arith.constant 1.500000e+00 : f32
      %parallel_loop3A_118 = vector.broadcast %parallel_loop3A_117 : f32 to vector<16xf32>
      %parallel_loop3A_119 = arith.subf %parallel_loop3A_118, %parallel_loop3A_116 : vector<16xf32>
      %parallel_loop3A_120 = arith.mulf %parallel_loop3A_111, %parallel_loop3A_119 : vector<16xf32>
      %parallel_loop3A_121 = arith.mulf %parallel_loop3A_114, %parallel_loop3A_120 : vector<16xf32>
      %parallel_loop3A_122 = arith.mulf %parallel_loop3A_121, %parallel_loop3A_120 : vector<16xf32>
      %parallel_loop3A_123 = arith.constant 1.500000e+00 : f32
      %parallel_loop3A_124 = vector.broadcast %parallel_loop3A_123 : f32 to vector<16xf32>
      %parallel_loop3A_125 = arith.subf %parallel_loop3A_124, %parallel_loop3A_122 : vector<16xf32>
      %parallel_loop3A_126 = arith.mulf %parallel_loop3A_120, %parallel_loop3A_125 : vector<16xf32>
      %parallel_loop3A_127 = arith.mulf %parallel_loop3A_103, %parallel_loop3A_126 : vector<16xf32>
      %parallel_loop3A_128 = arith.constant 2.248700e-02 : f32
      %parallel_loop3A_129 = vector.broadcast %parallel_loop3A_128 : f32 to vector<16xf32>
      %parallel_loop3A_130 = arith.mulf %parallel_loop3A_129, %parallel_loop3A_97 : vector<16xf32>
      %parallel_loop3A_131 = arith.constant -0.110819407 : f32
      %parallel_loop3A_132 = vector.broadcast %parallel_loop3A_131 : f32 to vector<16xf32>
      %parallel_loop3A_133 = arith.addf %parallel_loop3A_130, %parallel_loop3A_132 : vector<16xf32>
      %parallel_loop3A_134 = arith.mulf %parallel_loop3A_133, %parallel_loop3A_97 : vector<16xf32>
      %parallel_loop3A_135 = arith.constant 0.270922929 : f32
      %parallel_loop3A_136 = vector.broadcast %parallel_loop3A_135 : f32 to vector<16xf32>
      %parallel_loop3A_137 = arith.addf %parallel_loop3A_134, %parallel_loop3A_136 : vector<16xf32>
      %parallel_loop3A_138 = arith.mulf %parallel_loop3A_137, %parallel_loop3A_97 : vector<16xf32>
      %parallel_loop3A_139 = arith.constant -0.495487094 : f32
      %parallel_loop3A_140 = vector.broadcast %parallel_loop3A_139 : f32 to vector<16xf32>
      %parallel_loop3A_141 = arith.addf %parallel_loop3A_138, %parallel_loop3A_140 : vector<16xf32>
      %parallel_loop3A_142 = arith.mulf %parallel_loop3A_141, %parallel_loop3A_97 : vector<16xf32>
      %parallel_loop3A_143 = arith.constant 9.036750e-01 : f32
      %parallel_loop3A_144 = vector.broadcast %parallel_loop3A_143 : f32 to vector<16xf32>
      %parallel_loop3A_145 = arith.addf %parallel_loop3A_142, %parallel_loop3A_144 : vector<16xf32>
      %parallel_loop3A_146 = arith.mulf %parallel_loop3A_145, %parallel_loop3A_97 : vector<16xf32>
      %parallel_loop3A_147 = arith.constant -2.18571424 : f32
      %parallel_loop3A_148 = vector.broadcast %parallel_loop3A_147 : f32 to vector<16xf32>
      %parallel_loop3A_149 = arith.addf %parallel_loop3A_146, %parallel_loop3A_148 : vector<16xf32>
      %parallel_loop3A_150 = arith.mulf %parallel_loop3A_149, %parallel_loop3A_97 : vector<16xf32>
      %parallel_loop3A_151 = arith.constant 15.9999981 : f32
      %parallel_loop3A_152 = vector.broadcast %parallel_loop3A_151 : f32 to vector<16xf32>
      %parallel_loop3A_153 = arith.addf %parallel_loop3A_150, %parallel_loop3A_152 : vector<16xf32>
      %parallel_loop3A_154 = arith.mulf %parallel_loop3A_127, %parallel_loop3A_153 : vector<16xf32>
      %parallel_loop3A_155 = arith.constant 0.000000e+00 : f32
      %parallel_loop3A_156 = vector.broadcast %parallel_loop3A_155 : f32 to vector<16xf32>
      %parallel_loop3A_157 = arith.cmpf olt, %parallel_loop3A_33, %parallel_loop3A_156 : vector<16xf32>
      %parallel_loop3A_158 = arith.constant 3.200000e+01 : f32
      %parallel_loop3A_159 = vector.broadcast %parallel_loop3A_158 : f32 to vector<16xf32>
      %parallel_loop3A_160 = arith.subf %parallel_loop3A_159, %parallel_loop3A_154 : vector<16xf32>
      %parallel_loop3A_161 = arith.select %parallel_loop3A_157, %parallel_loop3A_160, %parallel_loop3A_154 : vector<16xi1>, vector<16xf32>
      %parallel_loop3A_162 = arith.constant 5.000000e-01 : f32
      %parallel_loop3A_163 = vector.broadcast %parallel_loop3A_162 : f32 to vector<16xf32>
      %parallel_loop3A_164 = arith.subf %parallel_loop3A_161, %parallel_loop3A_163 : vector<16xf32>
      %parallel_loop3A_165 = arith.constant 1.000000e+00 : f32
      %parallel_loop3A_166 = vector.broadcast %parallel_loop3A_165 : f32 to vector<16xf32>
      %parallel_loop3A_167 = arith.addf %parallel_loop3A_164, %parallel_loop3A_166 : vector<16xf32>
      %parallel_loop3A_168 = arith.fptosi %parallel_loop3A_167 : vector<16xf32> to vector<16xi32>
      %parallel_loop3A_169 = arith.constant 1 : i32
      %parallel_loop3A_170 = vector.broadcast %parallel_loop3A_169 : i32 to vector<16xi32>
      %parallel_loop3A_171 = arith.subi %parallel_loop3A_168, %parallel_loop3A_170 : vector<16xi32>
      %parallel_loop3A_172 = arith.constant 1.000000e+00 : f32
      %parallel_loop3A_173 = vector.broadcast %parallel_loop3A_172 : f32 to vector<16xf32>
      %parallel_loop3A_174 = arith.addf %parallel_loop3A_96, %parallel_loop3A_173 : vector<16xf32>
      %parallel_loop3A_175 = arith.fptosi %parallel_loop3A_174 : vector<16xf32> to vector<16xi32>
      %parallel_loop3A_176 = arith.constant 1 : i32
      %parallel_loop3A_177 = vector.broadcast %parallel_loop3A_176 : i32 to vector<16xi32>
      %parallel_loop3A_178 = arith.subi %parallel_loop3A_175, %parallel_loop3A_177 : vector<16xi32>
      %parallel_loop3A_179 = arith.sitofp %parallel_loop3A_171 : vector<16xi32> to vector<16xf32>
      %parallel_loop3A_180 = arith.subf %parallel_loop3A_164, %parallel_loop3A_179 : vector<16xf32>
      %parallel_loop3A_181 = arith.sitofp %parallel_loop3A_178 : vector<16xi32> to vector<16xf32>
      %parallel_loop3A_182 = arith.subf %parallel_loop3A_96, %parallel_loop3A_181 : vector<16xf32>
      %parallel_loop3A_183 = arith.constant 1.000000e+00 : f32
      %parallel_loop3A_184 = vector.broadcast %parallel_loop3A_183 : f32 to vector<16xf32>
      %parallel_loop3A_185 = arith.subf %parallel_loop3A_184, %parallel_loop3A_180 : vector<16xf32>
      %parallel_loop3A_186 = arith.constant 1.000000e+00 : f32
      %parallel_loop3A_187 = vector.broadcast %parallel_loop3A_186 : f32 to vector<16xf32>
      %parallel_loop3A_188 = arith.subf %parallel_loop3A_187, %parallel_loop3A_182 : vector<16xf32>
      %parallel_loop3A_189 = arith.constant 34 : i32
      %parallel_loop3A_190 = vector.broadcast %parallel_loop3A_189 : i32 to vector<16xi32>
      %parallel_loop3A_191 = arith.muli %parallel_loop3A_178, %parallel_loop3A_190 : vector<16xi32>
      %parallel_loop3A_192 = arith.addi %parallel_loop3A_191, %parallel_loop3A_171 : vector<16xi32>
      %parallel_loop3A_193 = arith.constant 35 : i32
      %parallel_loop3A_194 = vector.broadcast %parallel_loop3A_193 : i32 to vector<16xi32>
      %parallel_loop3A_195 = arith.addi %parallel_loop3A_192, %parallel_loop3A_194 : vector<16xi32>
      %parallel_loop3A_196 = arith.mulf %parallel_loop3A_188, %parallel_loop3A_185 : vector<16xf32>
      %parallel_loop3A_197 = arith.mulf %parallel_loop3A_188, %parallel_loop3A_180 : vector<16xf32>
      %parallel_loop3A_198 = arith.mulf %parallel_loop3A_182, %parallel_loop3A_185 : vector<16xf32>
      %parallel_loop3A_199 = arith.mulf %parallel_loop3A_182, %parallel_loop3A_180 : vector<16xf32>
      %parallel_loop3A_200 = arith.constant 0 : i32
      %parallel_loop3A_201 = vector.broadcast %parallel_loop3A_200 : i32 to vector<16xi32>
      %parallel_loop3A_202 = arith.addi %parallel_loop3A_195, %parallel_loop3A_201 : vector<16xi32>
      %parallel_loop3A_203 = tpu.vector_load_idx %arg12[%parallel_loop3A_202] : memref<1836xf32, #tpu.memory_space<vmem>>[vector<16xi32>], vector<16xf32>,
      %parallel_loop3A_204 = arith.mulf %parallel_loop3A_196, %parallel_loop3A_203 : vector<16xf32>
      %parallel_loop3A_205 = arith.constant 1 : i32
      %parallel_loop3A_206 = vector.broadcast %parallel_loop3A_205 : i32 to vector<16xi32>
      %parallel_loop3A_207 = arith.addi %parallel_loop3A_202, %parallel_loop3A_206 : vector<16xi32>
      %parallel_loop3A_208 = tpu.vector_load_idx %arg12[%parallel_loop3A_207] : memref<1836xf32, #tpu.memory_space<vmem>>[vector<16xi32>], vector<16xf32>,
      %parallel_loop3A_209 = arith.mulf %parallel_loop3A_197, %parallel_loop3A_208 : vector<16xf32>
      %parallel_loop3A_210 = arith.addf %parallel_loop3A_204, %parallel_loop3A_209 : vector<16xf32>
      %parallel_loop3A_211 = arith.constant 34 : i32
      %parallel_loop3A_212 = vector.broadcast %parallel_loop3A_211 : i32 to vector<16xi32>
      %parallel_loop3A_213 = arith.addi %parallel_loop3A_202, %parallel_loop3A_212 : vector<16xi32>
      %parallel_loop3A_214 = tpu.vector_load_idx %arg12[%parallel_loop3A_213] : memref<1836xf32, #tpu.memory_space<vmem>>[vector<16xi32>], vector<16xf32>,
      %parallel_loop3A_215 = arith.mulf %parallel_loop3A_198, %parallel_loop3A_214 : vector<16xf32>
      %parallel_loop3A_216 = arith.addf %parallel_loop3A_210, %parallel_loop3A_215 : vector<16xf32>
      %parallel_loop3A_217 = arith.constant 35 : i32
      %parallel_loop3A_218 = vector.broadcast %parallel_loop3A_217 : i32 to vector<16xi32>
      %parallel_loop3A_219 = arith.addi %parallel_loop3A_202, %parallel_loop3A_218 : vector<16xi32>
      %parallel_loop3A_220 = tpu.vector_load_idx %arg12[%parallel_loop3A_219] : memref<1836xf32, #tpu.memory_space<vmem>>[vector<16xi32>], vector<16xf32>,
      %parallel_loop3A_221 = arith.mulf %parallel_loop3A_199, %parallel_loop3A_220 : vector<16xf32>
      %parallel_loop3A_222 = arith.addf %parallel_loop3A_216, %parallel_loop3A_221 : vector<16xf32>
      %parallel_loop3A_223 = math.exp %parallel_loop3A_222 : vector<16xf32>
      %parallel_loop3A_224 = arith.index_cast %parallel_loop3A_29 : i32 to index
      %parallel_loop3A_225 = tpu.vector_load %arg13[%parallel_loop3A_224] {strides = array<i32>} : memref<1024xf32, #tpu.memory_space<vmem>>, vector<16xf32>,
      tpu.vector_store %arg13[%parallel_loop3A_224], %parallel_loop3A_223 {strides = array<i32>} : memref<1024xf32, #tpu.memory_space<vmem>>, vector<16xf32>,
      %parallel_loop3A_226 = arith.constant 612 : i32
      %parallel_loop3A_227 = vector.broadcast %parallel_loop3A_226 : i32 to vector<16xi32>
      %parallel_loop3A_228 = arith.addi %parallel_loop3A_195, %parallel_loop3A_227 : vector<16xi32>
      %parallel_loop3A_229 = tpu.vector_load_idx %arg12[%parallel_loop3A_228] : memref<1836xf32, #tpu.memory_space<vmem>>[vector<16xi32>], vector<16xf32>,
      %parallel_loop3A_230 = arith.mulf %parallel_loop3A_196, %parallel_loop3A_229 : vector<16xf32>
      %parallel_loop3A_231 = arith.constant 1 : i32
      %parallel_loop3A_232 = vector.broadcast %parallel_loop3A_231 : i32 to vector<16xi32>
      %parallel_loop3A_233 = arith.addi %parallel_loop3A_228, %parallel_loop3A_232 : vector<16xi32>
      %parallel_loop3A_234 = tpu.vector_load_idx %arg12[%parallel_loop3A_233] : memref<1836xf32, #tpu.memory_space<vmem>>[vector<16xi32>], vector<16xf32>,
      %parallel_loop3A_235 = arith.mulf %parallel_loop3A_197, %parallel_loop3A_234 : vector<16xf32>
      %parallel_loop3A_236 = arith.addf %parallel_loop3A_230, %parallel_loop3A_235 : vector<16xf32>
      %parallel_loop3A_237 = arith.constant 34 : i32
      %parallel_loop3A_238 = vector.broadcast %parallel_loop3A_237 : i32 to vector<16xi32>
      %parallel_loop3A_239 = arith.addi %parallel_loop3A_228, %parallel_loop3A_238 : vector<16xi32>
      %parallel_loop3A_240 = tpu.vector_load_idx %arg12[%parallel_loop3A_239] : memref<1836xf32, #tpu.memory_space<vmem>>[vector<16xi32>], vector<16xf32>,
      %parallel_loop3A_241 = arith.mulf %parallel_loop3A_198, %parallel_loop3A_240 : vector<16xf32>
      %parallel_loop3A_242 = arith.addf %parallel_loop3A_236, %parallel_loop3A_241 : vector<16xf32>
      %parallel_loop3A_243 = arith.constant 35 : i32
      %parallel_loop3A_244 = vector.broadcast %parallel_loop3A_243 : i32 to vector<16xi32>
      %parallel_loop3A_245 = arith.addi %parallel_loop3A_228, %parallel_loop3A_244 : vector<16xi32>
      %parallel_loop3A_246 = tpu.vector_load_idx %arg12[%parallel_loop3A_245] : memref<1836xf32, #tpu.memory_space<vmem>>[vector<16xi32>], vector<16xf32>,
      %parallel_loop3A_247 = arith.mulf %parallel_loop3A_199, %parallel_loop3A_246 : vector<16xf32>
      %parallel_loop3A_248 = arith.addf %parallel_loop3A_242, %parallel_loop3A_247 : vector<16xf32>
      %parallel_loop3A_249 = math.exp %parallel_loop3A_248 : vector<16xf32>
      %parallel_loop3A_250 = arith.index_cast %parallel_loop3A_29 : i32 to index
      %parallel_loop3A_251 = tpu.vector_load %arg14[%parallel_loop3A_250] {strides = array<i32>} : memref<1024xf32, #tpu.memory_space<vmem>>, vector<16xf32>,
      tpu.vector_store %arg14[%parallel_loop3A_250], %parallel_loop3A_249 {strides = array<i32>} : memref<1024xf32, #tpu.memory_space<vmem>>, vector<16xf32>,
      %parallel_loop3A_252 = arith.constant 1224 : i32
      %parallel_loop3A_253 = vector.broadcast %parallel_loop3A_252 : i32 to vector<16xi32>
      %parallel_loop3A_254 = arith.addi %parallel_loop3A_195, %parallel_loop3A_253 : vector<16xi32>
      %parallel_loop3A_255 = tpu.vector_load_idx %arg12[%parallel_loop3A_254] : memref<1836xf32, #tpu.memory_space<vmem>>[vector<16xi32>], vector<16xf32>,
      %parallel_loop3A_256 = arith.mulf %parallel_loop3A_196, %parallel_loop3A_255 : vector<16xf32>
      %parallel_loop3A_257 = arith.constant 1 : i32
      %parallel_loop3A_258 = vector.broadcast %parallel_loop3A_257 : i32 to vector<16xi32>
      %parallel_loop3A_259 = arith.addi %parallel_loop3A_254, %parallel_loop3A_258 : vector<16xi32>
      %parallel_loop3A_260 = tpu.vector_load_idx %arg12[%parallel_loop3A_259] : memref<1836xf32, #tpu.memory_space<vmem>>[vector<16xi32>], vector<16xf32>,
      %parallel_loop3A_261 = arith.mulf %parallel_loop3A_197, %parallel_loop3A_260 : vector<16xf32>
      %parallel_loop3A_262 = arith.addf %parallel_loop3A_256, %parallel_loop3A_261 : vector<16xf32>
      %parallel_loop3A_263 = arith.constant 34 : i32
      %parallel_loop3A_264 = vector.broadcast %parallel_loop3A_263 : i32 to vector<16xi32>
      %parallel_loop3A_265 = arith.addi %parallel_loop3A_254, %parallel_loop3A_264 : vector<16xi32>
      %parallel_loop3A_266 = tpu.vector_load_idx %arg12[%parallel_loop3A_265] : memref<1836xf32, #tpu.memory_space<vmem>>[vector<16xi32>], vector<16xf32>,
      %parallel_loop3A_267 = arith.mulf %parallel_loop3A_198, %parallel_loop3A_266 : vector<16xf32>
      %parallel_loop3A_268 = arith.addf %parallel_loop3A_262, %parallel_loop3A_267 : vector<16xf32>
      %parallel_loop3A_269 = arith.constant 35 : i32
      %parallel_loop3A_270 = vector.broadcast %parallel_loop3A_269 : i32 to vector<16xi32>
      %parallel_loop3A_271 = arith.addi %parallel_loop3A_254, %parallel_loop3A_270 : vector<16xi32>
      %parallel_loop3A_272 = tpu.vector_load_idx %arg12[%parallel_loop3A_271] : memref<1836xf32, #tpu.memory_space<vmem>>[vector<16xi32>], vector<16xf32>,
      %parallel_loop3A_273 = arith.mulf %parallel_loop3A_199, %parallel_loop3A_272 : vector<16xf32>
      %parallel_loop3A_274 = arith.addf %parallel_loop3A_268, %parallel_loop3A_273 : vector<16xf32>
      %parallel_loop3A_275 = math.exp %parallel_loop3A_274 : vector<16xf32>
      %parallel_loop3A_276 = arith.index_cast %parallel_loop3A_29 : i32 to index
      %parallel_loop3A_277 = tpu.vector_load %arg15[%parallel_loop3A_276] {strides = array<i32>} : memref<1024xf32, #tpu.memory_space<vmem>>, vector<16xf32>,
      tpu.vector_store %arg15[%parallel_loop3A_276], %parallel_loop3A_275 {strides = array<i32>} : memref<1024xf32, #tpu.memory_space<vmem>>, vector<16xf32>,
    } {sc.loop_unroll_factor = 2 : i64, sc.parallel_access}
    %dma_start3A_15 = tpu.memref_slice %arg6[%mul3A_2] : memref<32768xf32, #tpu.memory_space<hbm>> -> memref<1024xf32, #tpu.memory_space<hbm>>
    %dma_start3A_16 = tpu.memref_slice %arg6[%mul3A_2] : memref<32768xf32, #tpu.memory_space<hbm>> -> memref<1024xf32, #tpu.memory_space<hbm>>
    tpu.enqueue_dma source(%arg13 : memref<1024xf32, #tpu.memory_space<vmem>>) target(%dma_start3A_16 : memref<1024xf32, #tpu.memory_space<hbm>>) target_semaphore(%arg16 : memref<!tpu.dma_semaphore, #tpu.memory_space<semaphore_mem>>)
    %dma_start3A_17 = tpu.memref_slice %arg7[%mul3A_2] : memref<32768xf32, #tpu.memory_space<hbm>> -> memref<1024xf32, #tpu.memory_space<hbm>>
    %dma_start3A_18 = tpu.memref_slice %arg7[%mul3A_2] : memref<32768xf32, #tpu.memory_space<hbm>> -> memref<1024xf32, #tpu.memory_space<hbm>>
    tpu.enqueue_dma source(%arg14 : memref<1024xf32, #tpu.memory_space<vmem>>) target(%dma_start3A_18 : memref<1024xf32, #tpu.memory_space<hbm>>) target_semaphore(%arg16 : memref<!tpu.dma_semaphore, #tpu.memory_space<semaphore_mem>>)
    %dma_start3A_19 = tpu.memref_slice %arg8[%mul3A_2] : memref<32768xf32, #tpu.memory_space<hbm>> -> memref<1024xf32, #tpu.memory_space<hbm>>
    %dma_start3A_20 = tpu.memref_slice %arg8[%mul3A_2] : memref<32768xf32, #tpu.memory_space<hbm>> -> memref<1024xf32, #tpu.memory_space<hbm>>
    tpu.enqueue_dma source(%arg15 : memref<1024xf32, #tpu.memory_space<vmem>>) target(%dma_start3A_20 : memref<1024xf32, #tpu.memory_space<hbm>>) target_semaphore(%arg16 : memref<!tpu.dma_semaphore, #tpu.memory_space<semaphore_mem>>)
    %dma_wait3A_21 = tpu.memref_slice %arg6[%mul3A_2] : memref<32768xf32, #tpu.memory_space<hbm>> -> memref<1024xf32, #tpu.memory_space<hbm>>
    %dma_wait3A_22 = tpu.memref_slice %arg6[%mul3A_2] : memref<32768xf32, #tpu.memory_space<hbm>> -> memref<1024xf32, #tpu.memory_space<hbm>>
    tpu.wait_dma2 semaphore(%arg16 : memref<!tpu.dma_semaphore, #tpu.memory_space<semaphore_mem>>) src(%arg13 : memref<1024xf32, #tpu.memory_space<vmem>>) dst(%dma_wait3A_22 : memref<1024xf32, #tpu.memory_space<hbm>>)
    %dma_wait3A_23 = tpu.memref_slice %arg7[%mul3A_2] : memref<32768xf32, #tpu.memory_space<hbm>> -> memref<1024xf32, #tpu.memory_space<hbm>>
    %dma_wait3A_24 = tpu.memref_slice %arg7[%mul3A_2] : memref<32768xf32, #tpu.memory_space<hbm>> -> memref<1024xf32, #tpu.memory_space<hbm>>
    tpu.wait_dma2 semaphore(%arg16 : memref<!tpu.dma_semaphore, #tpu.memory_space<semaphore_mem>>) src(%arg14 : memref<1024xf32, #tpu.memory_space<vmem>>) dst(%dma_wait3A_24 : memref<1024xf32, #tpu.memory_space<hbm>>)
    %dma_wait3A_25 = tpu.memref_slice %arg8[%mul3A_2] : memref<32768xf32, #tpu.memory_space<hbm>> -> memref<1024xf32, #tpu.memory_space<hbm>>
    %dma_wait3A_26 = tpu.memref_slice %arg8[%mul3A_2] : memref<32768xf32, #tpu.memory_space<hbm>> -> memref<1024xf32, #tpu.memory_space<hbm>>
    tpu.wait_dma2 semaphore(%arg16 : memref<!tpu.dma_semaphore, #tpu.memory_space<semaphore_mem>>) src(%arg15 : memref<1024xf32, #tpu.memory_space<vmem>>) dst(%dma_wait3A_26 : memref<1024xf32, #tpu.memory_space<hbm>>)
    return
  }
}

</mosaic_0001>

<sc_bundles>
// kernel: kernel.3.cloned.1.call-start
scs
__scs_entry_jumppad:
0x0: {  	(pc) =	sbr.rel $0x88, $3  }
0x1: {  	(tag) =	ssettag $0x0;
	lr =	simm.s32 $0x1  }
0x2: {  	[smem:$0x3F9F] =	sst lr;
	_ =	strace $0xD0000000  }
0x3: {  	_ = 	snop  }
0x4: {  	_ = 	snop  }
0x5: {  	_ = 	snop  }
0x6: {  	_ = 	snop  }
0x7: {  	_ = 	snop  }
__scs_overlays_trampoline_lowered:
0x8: {  	[smem:$0x3FAE] =	sst s0  }
0x9: {  	[smem:$0x3FAF] =	sst s1  }
0xa: {  	[smem:$0x3FB0] =	sst s2  }
0xb: {  	[smem:$0x3FB1] =	sst s3  }
0xc: {  	[smem:$0x3FB2] =	sst s4  }
0xd: {  	[smem:$0x3FB3] =	sst s5  }
0xe: {  	[smem:$0x3FB4] =	sst s6  }
0xf: {  	[smem:$0x3FB5] =	sst s7  }
0x10: {  	[smem:$0x3FB6] =	sst s8  }
0x11: {  	[smem:$0x3FB7] =	sst s9;
	s0 =	simm.s32 @!p0 $0x0  }
0x12: {  	s1 =	sld [smem:$0x3F9D];
	s0 =	simm.s32 @p0 $0x1  }
0x13: {  	[smem:$0x3FB8] =	sst s0;
	s0 =	simm.s32 @!p1 $0x0  }
0x14: {  	s2 =	sld [smem:$0x3F9C];
	s0 =	simm.s32 @p1 $0x1  }
0x15: {  	[smem:$0x3FB9] =	sst s0;
	s0 =	simm.s32 @!p2 $0x0  }
0x16: {  	s3 =	sld [smem:$0x3FDB];
	s0 =	simm.s32 @p2 $0x1  }
0x17: {  	s4 =	simm.s32 $0x1BF5;
	[smem:$0x3FBB] =	sst s0  }
0x18: {  	s0 =	sld [smem:$0x3F9E];
	_ =	swait.ge [sflag:s4], $0x0  }
0x19: {  	s7 =	sld [smem:$0x3F9F]  }
0x1a: {  	s8 =	sadd.s32 $0xFFFFE003, lr  }
0x1b: {  	s9 =	sadd.s32 $0xFFFFFEF7, lr;
	s5 =	simm.s32 $0xFFFFFFFF;
	p2 =	slt.u32 s8, $0xFFFFF086  }
0x1c: {  	p1 =	slt.u32 s9, $0xF7A;
	s5 =	simm.s32 @!p2 $0x0  }
0x1d: {  	s5 =	simm.s32 @p1 $0x1;
	p0 =	seq.s32 s7, s2  }
0x1e: {  	s7 =	smul.u32 @!p0 $0xF7A, s2;
	p2 =	seq.s32 @!p0 s5, $0x0  }
0x1f: {  	s9 =	smul.u32 $0xF7A, s1;
	s8 =	simm.s32 @!p0 $0x1BF5;
	p2 =	por !p2, p0  }
0x20: {  	[sflag:s8] =	ssyncset.s32 @!p0 $0xFFFFF086;
	s6 =	sadd.s32 @!p0 s3, s7;
	s7 =	simm.s32 @!p0 $0x108  }
0x21: {  	s3 =	sadd.s32 s3, s9;
	s6 =	sadd.s32 @!p0 $0x88, s6;
	s7 =	simm.s32 @p2 $0x1082  }
0x22: {  	[simem:s7], [sflag:s8] =	dma.local @!p0 [hbm:s6], $0xF7A  }
0x23: {  	s9 =	sor.u32 $0xD0000000, s2;
	s6 =	simm.s32 $0x108;
	_ =	swait.ge @!p0 [sflag:s8], $0x0  }
0x24: {  	s3 =	sadd.s32 $0x88, s3;
	s6 =	simm.s32 @!p1 $0x1082;
	[sflag:s4] =	ssyncset.s32 $0xFFFFF086  }
0x25: {  	[simem:s6], [sflag:s4] =	dma.local [hbm:s3], $0xF7A  }
0x26: {  	[smem:$0x3F9F] =	sst s1;
	(tag) =	ssettag s2;
	_ =	strace s9  }
0x27: {  	s1 =	sld [smem:$0x3FAF]  }
0x28: {  	s2 =	sld [smem:$0x3FB0]  }
0x29: {  	s4 =	sld [smem:$0x3FB2]  }
0x2a: {  	p0 =	seq.s32 s5, $0x0;
	s5 =	sld [smem:$0x3FB3]  }
0x2b: {  	s6 =	sld [smem:$0x3FB4]  }
0x2c: {  	s7 =	sld [smem:$0x3FB5]  }
0x2d: {  	s3 =	simm.s32 $0x108;
	s8 =	sld [smem:$0x3FB6]  }
0x2e: {  	s3 =	simm.s32 @!p0 $0x1082;
	s9 =	sld [smem:$0x3FB7]  }
0x2f: {  	lr =	sadd.s32 s0, s3;
	s0 =	sld [smem:$0x3FAE]  }
0x30: {  	s3 =	sld [smem:$0x3FB1]  }
0x31: {  	[smem:$0x3FBA] =	sst s10  }
0x32: {  	s10 =	sld [smem:$0x3FB8];
	_ =	sdelay $0x3  }
0x33: {  	p0 =	seq.s32 s10, $0x1;
	s10 =	sld [smem:$0x3FBA];
	_ =	sdelay $0x3  }
0x34: {  	[smem:$0x3FBA] =	sst s10  }
0x35: {  	s10 =	sld [smem:$0x3FB9];
	_ =	sdelay $0x3  }
0x36: {  	p1 =	seq.s32 s10, $0x1;
	s10 =	sld [smem:$0x3FBA];
	_ =	sdelay $0x3  }
0x37: {  	[smem:$0x3FBA] =	sst s10  }
0x38: {  	s10 =	sld [smem:$0x3FBB]  }
0x39: {  	_ = 	snop;
	(pc) =	sbr.ind lr, $3  }
0x3a: {  	_ = 	snop  }
0x3b: {  	_ = 	snop  }
0x3c: {  	p2 =	seq.s32 s10, $0x1;
	s10 =	sld [smem:$0x3FBA]  }
0x3d: {  	_ =	shalt  }
0x3e: {  	_ =	shalt  }
0x3f: {  	_ =	shalt  }
0x40: {  	_ =	shalt  }
0x41: {  	_ =	shalt  }
0x42: {  	_ =	shalt  }
0x43: {  	_ =	shalt  }
0x44: {  	_ =	shalt  }
0x45: {  	_ =	shalt  }
0x46: {  	_ =	shalt  }
0x47: {  	_ =	shalt  }
0x48: {  	_ =	shalt  }
0x49: {  	_ =	shalt  }
0x4a: {  	_ =	shalt  }
0x4b: {  	_ =	shalt  }
0x4c: {  	_ =	shalt  }
0x4d: {  	_ =	shalt  }
0x4e: {  	_ =	shalt  }
0x4f: {  	_ =	shalt  }
0x50: {  	_ =	shalt  }
0x51: {  	_ =	shalt  }
0x52: {  	_ =	shalt  }
0x53: {  	_ =	shalt  }
0x54: {  	_ =	shalt  }
0x55: {  	_ =	shalt  }
0x56: {  	_ =	shalt  }
0x57: {  	_ =	shalt  }
0x58: {  	_ =	shalt  }
0x59: {  	_ =	shalt  }
0x5a: {  	_ =	shalt  }
0x5b: {  	_ =	shalt  }
0x5c: {  	_ =	shalt  }
0x5d: {  	_ =	shalt  }
0x5e: {  	_ =	shalt  }
0x5f: {  	_ =	shalt  }
0x60: {  	_ =	shalt  }
0x61: {  	_ =	shalt  }
0x62: {  	_ =	shalt  }
0x63: {  	_ =	shalt  }
0x64: {  	_ =	shalt  }
0x65: {  	_ =	shalt  }
0x66: {  	_ =	shalt  }
0x67: {  	_ =	shalt  }
0x68: {  	_ =	shalt  }
0x69: {  	_ =	shalt  }
0x6a: {  	_ =	shalt  }
0x6b: {  	_ =	shalt  }
0x6c: {  	_ =	shalt  }
0x6d: {  	_ =	shalt  }
0x6e: {  	_ =	shalt  }
0x6f: {  	_ =	shalt  }
0x70: {  	_ =	shalt  }
0x71: {  	_ =	shalt  }
0x72: {  	_ =	shalt  }
0x73: {  	_ =	shalt  }
0x74: {  	_ =	shalt  }
0x75: {  	_ =	shalt  }
0x76: {  	_ =	shalt  }
0x77: {  	_ =	shalt  }
0x78: {  	_ =	shalt  }
0x79: {  	_ =	shalt  }
0x7a: {  	_ =	shalt  }
0x7b: {  	_ =	shalt  }
0x7c: {  	_ =	shalt  }
0x7d: {  	_ =	shalt  }
0x7e: {  	_ =	shalt  }
0x7f: {  	_ =	shalt  }
0x80: {  	_ =	shalt  }
0x81: {  	_ =	shalt  }
0x82: {  	_ =	shalt  }
0x83: {  	_ =	shalt  }
0x84: {  	_ =	shalt  }
0x85: {  	_ =	shalt  }
0x86: {  	_ =	shalt  }
0x87: {  	_ =	shalt  }
.Lfunc_end0:
.L_simem_size_0:
called_computation_lowered:
.L_overlay_start_0:
0x88: {  	s2 =	sld [smem:$0x3FD9]  }
0x89: {  	s3 =	sld [smem:$0x3FFE];
	_ =	sdelay $0x1  }
0x8a: {  	s1 =	srdreg.scid  }
0x8b: {  	s0 =	sand.u32 $0x1, s1  }
0x8c: {  	s17 =	sshll.u32 s0, $0xA;
	s2 =	sadd.s32 s3, s2  }
0x8d: {  	s2 =	sadd.s32 s2, s17  }
0x8e: {  	[smem:$0x3FC6] =	sst s2  }
0x8f: {  	_ = 	snop  }
0x90: {  	s2 =	sld [smem:$0x3FD0];
	(tm) =	ssettm $0x1  }
0x91: {  	s18 =	sld [smem:$0x3FFB];
	_ =	sdelay $0x3  }
0x92: {  	_ =	strace s18  }
0x93: {  	s3 =	sld [smem:$0x3FFC];
	_ =	sdelay $0x3  }
0x94: {  	_ =	strace s3  }
0x95: {  	s3 =	sld [smem:$0x3FFD];
	_ =	sdelay $0x3  }
0x96: {  	_ =	strace s3  }
0x97: {  	_ =	strace $0x8FFFFFFF  }
0x98: {  	s19 =	sld [smem:$0x3FDB];
	_ =	sdelay $0x1  }
0x99: {  	s4 =	simm.s32 $_scs_section_size  }
0x9a: {  	s5 =	simm.s32 $_size__tile_overlayer_lowered;
	s6 =	simm.s32 $_tile_overlayer_lowered  }
0x9b: {  	s22 =	simm.s32 $0x1BFF;
	s21 =	sshll.u32 s6, $0x1;
	s3 =	sadd.s32 s4, s19  }
0x9c: {  	s7 =	simm.s32 $0x0;
	s20 =	sshll.u32 s5, $0x1;
	s5 =	sadd.s32 s21, s3  }
0x9d: {  	[timem:s7], [sflag:s22] =	dma.local [hbm:s5], s20  }
0x9e: {  	_ =	swait.ge [sflag:s22], s20  }
0x9f: {  	s4 =	ssub.s32 $0x0, s20;
	[sflag:s22] =	ssyncset.done $0x0  }
0xa0: {  	[sflag:s22] =	ssyncadd.s32 s4;
	_ =	sdelay $0x1  }
0xa1: {  	s23 =	simm.s32 $0x1B8B  }
0xa2: {  	_ =	swait.ge [sflag:s23], $0x1  }
0xa3: {  	[sflag:s23] =	ssyncset.done $0x0  }
0xa4: {  	s25 =	simm.s32 $0x1B8E;
	s24 =	sld [smem:$0x3FFE];
	[sflag:s23] =	ssyncadd.s32 $0xFFFFFFFF  }
0xa5: {  	s26 =	simm.s32 $execute0_lowered;
	[smem:$0x3FD2] =	sst s25  }
0xa6: {  	s5 =	sshll.u32 s26, $0x1;
	_ =	strace $0x80000046;
	[dreg:$0x1] =	wrdreg $0xFFFFFFFF  }
0xa7: {  	s28 =	simm.s32 $_size_execute0_lowered;
	s3 =	sadd.s32 s3, s5;
	[dreg:$0x0] =	wrdreg $0x0  }
0xa8: {  	s5 =	sshll.u32 s28, $0x1;
	[dreg:$0x2] =	wrdreg s3  }
0xa9: {  	[dreg:$0x3] =	wrdreg s5  }
0xaa: {  	[dreg:$0x4] =	wrdreg $0xC0  }
0xab: {  	_ =	task [dreg:s7], $0x5FFFF  }
0xac: {  	[dreg:$0x1] =	wrdreg $0xFFFFFFFF  }
0xad: {  	[dreg:$0x0] =	wrdreg $0x60  }
0xae: {  	[dreg:$0x2] =	wrdreg s24  }
0xaf: {  	[dreg:$0x3] =	wrdreg s2  }
0xb0: {  	[dreg:$0x4] =	wrdreg $0x9  }
0xb1: {  	_ =	task.clear_ibuf [dreg:s7], $0x5FFFF;
	_ =	strace $0x90000046  }
0xb2: {  	s29 =	simm.s32 $0x9;
	_ =	strace $0x80000048  }
0xb3: {  	_ =	swait.ge [sflag:s29], $0x1  }
0xb4: {  	[sflag:s29] =	ssyncadd.s32 $0xFFFFFFFF  }
0xb5: {  	_ =	strace $0x90000048  }
0xb6: {  	_ =	sfence  }
0xb7: {  	s30 =	sld [smem:$0x0];
	_ =	sdelay $0x2  }
0xb8: {  	s31 =	sshll.u32 s1, $0xD;
	s1 =	sshrl.u32 s1, $0x2  }
0xb9: {  	s3 =	sand.u32 $0x4000, s31;
	s1 =	sadd.s32 s1, s30  }
0xba: {  	s0 =	sor.u32 s3, s0;
	s1 =	sshll.u32 s1, $0x11  }
0xbb: {  	s0 =	sor.u32 s1, s0  }
0xbc: {  	s0 =	sadd.s32 $0x8F2B, s0  }
0xbd: {  	[sflag:s0] =	ssyncadd.remote.s32 $0x1  }
0xbe: {  	_ =	sfence.sel $0xFFFF  }
0xbf: {  	[dreg:$0x0] =	wrdreg $0xFFFFFFFF;
	(pc) =	sbr.abs _section_cstart, $3  }
0xc0: {  	[dreg:$0x1] =	wrdreg $0xFFFFFFFF  }
0xc1: {  	_ =	task.clear_ibuf [dreg:s7], $0x2FFFF;
	_ =	strace $0x9FFFFFFF  }
0xc2: {  	(tm) =	ssettm $0x7FFFFFFF  }
0xc3: {  	_ =	shalt  }
tec
execute0_lowered:
.L_overlay_start_1:
0x0: {  	(tag) =	ssettag $0x1  }
0x1: {  	s4 =	rddreg [dreg:$0x0]  }
0x2: {  	s6 =	rddreg [dreg:$0x1]  }
0x3: {  	s0 =	rddreg [dreg:$0x2];
	s2 =	simm.s32 $0x0;
	s3 =	srdreg.scid  }
0x4: {  	s1 =	stileid.u32;
	s11 =	simm.s32 $0xC00;
	s12 =	simm.s32 $0x400  }
0x5: {  	s13 =	simm.s32 $0x800;
	s14 =	simm.s32 $0x1;
	s15 =	simm.s32 $0x1380  }
0x6: {  	s16 =	simm.s32 $0x1780;
	s17 =	simm.s32 $0x1B80;
	s18 =	simm.s32 $0x0  }
0x7: {  	[smem:$0x7FF] =	sst s2;
	s3 =	sand.u32 $0x1, s3;
	s5 =	sshll.u32 s1, $0x8  }
0x8: {  	s7 =	sshll.u32 s3, $0x7;
	s8 =	ssub.s32 $0x2, s3;
	_ =	strace $0x80000047  }
0x9: {  	s3 =	sadd.s32 $0xA00, s4;
	s7 =	sor.u32 s7, s5;
	s31 =	sshrl.u32 s8, $0x1  }
0xa: {  	s9 =	sadd.s32 s7, s4;
	s10 =	ssub.s32 s8, s31;
	s6 =	sadd.s32 s6, s7  }
0xb: {  	s4 =	sadd.s32 $0x1C00, s9;
	s5 =	sadd.s32 $0xC00, s9;
	s7 =	sadd.s32 $0x2C00, s9  }
0xc: {  	s8 =	sadd.s32 $0x3C00, s9;
	s9 =	sadd.s32 $0x4C00, s9;
	s10 =	smax.u32 s10, $0x1  }
.LBB2_1:
0xd: {  	[tilespmem:s11], [sflag:$0x1] =	stream.linear.gather [hbm4b:s3+s2], $0x780, $0x38;
	[tilespmem:$0x1F80] =	vst v63  }
0xe: {  	_ = 	snop  }
0xf: {  	[tilespmem:s2], [sflag:$0x1] =	stream.linear.gather [hbm4b:s4+s2], $0x400, $0x38;
	[tilespmem:$0x1F80] =	vst v63  }
0x10: {  	_ = 	snop  }
0x11: {  	[tilespmem:s12], [sflag:$0x1] =	stream.linear.gather [hbm4b:s5+s2], $0x400, $0x38;
	[tilespmem:$0x1F80] =	vst v63  }
0x12: {  	_ = 	snop  }
0x13: {  	[tilespmem:s13], [sflag:$0x1] =	stream.linear.gather [hbm4b:s6+s2], $0x400, $0x38;
	[tilespmem:$0x1F80] =	vst v63  }
0x14: {  	_ =	swait.ge [sflag:s14], $0x780  }
0x15: {  	[sflag:s14] =	ssyncset.done $0x0  }
0x16: {  	[sflag:s14] =	ssyncadd.s32 $0xFFFFF880  }
0x17: {  	_ =	swait.ge [sflag:s14], $0x400  }
0x18: {  	[sflag:s14] =	ssyncset.done $0x0  }
0x19: {  	[sflag:s14] =	ssyncadd.s32 $0xFFFFFC00  }
0x1a: {  	_ =	swait.ge [sflag:s14], $0x400  }
0x1b: {  	[sflag:s14] =	ssyncset.done $0x0  }
0x1c: {  	[sflag:s14] =	ssyncadd.s32 $0xFFFFFC00  }
0x1d: {  	_ =	swait.ge [sflag:s14], $0x400  }
0x1e: {  	[sflag:s14] =	ssyncset.done $0x0  }
0x1f: {  	s19 =	simm.s32 $0x810;
	[sflag:s14] =	ssyncadd.s32 $0xFFFFFC00  }
0x20: {  	s20 =	simm.s32 $0x10;
	v0 =	vld [tilespmem:s19+$0x0]  }
0x21: {  	v1 =	vld [tilespmem:s20+$0x0];
	_ =	sdelay $0x3  }
0x22: {  	v2 =	vxor.u32 $0x80000000, v0  }
0x23: {  	v3 =	vand.u32 $0x7FFFFFFF, v1;
	v4 =	vand.u32 $0x7FFFFFFF, v2  }
0x24: {  	v0 =	vmax.f32 v3, v4  }
0x25: {  	v0 =	vmax.f32 v0, $1.000000000e-30  }
0x26: {  	(erf) = vrcp.f32 v0;
	_ =	sdelay $0x8  }
0x27: {  	v0 =	vmin.f32 v3, v4;
	v5 =	vpop (erf)  }
0x28: {  	v5 =	vmul.f32 v5, v0;
	_ =	sdelay $0x1  }
0x29: {  	v6 =	vmul.f32 v5, v5;
	_ =	sdelay $0x1  }
0x2a: {  	s21 =	simm.s32 $0x410;
	v8 =	vmul.f32 $1.947637270e-02, v6  }
0x2b: {  	v9 =	vld [tilespmem:s21+$0x0]  }
0x2c: {  	v7 =	vld [tilespmem:s19+$0xFFFFFFF0];
	v8 =	vadd.f32 $-9.259107700e-02, v8  }
0x2d: {  	v0 =	vld [tilespmem:s20+$0xFFFFFFF0]  }
0x2e: {  	v8 =	vmul.f32 v8, v6;
	_ =	sdelay $0x1  }
0x2f: {  	v13 =	vand.u32 $0x7FFFFFFF, v9;
	v8 =	vadd.f32 $2.116797720e-01, v8  }
0x30: {  	v7 =	vxor.u32 $0x80000000, v7;
	v14 =	vsub.f32 $1.000000000e+00, v13;
	v15 =	vmul.f32 $2.248699960e-02, v13  }
0x31: {  	v10 =	vand.u32 $0x7FFFFFFF, v7;
	v11 =	vand.u32 $0x7FFFFFFF, v0;
	v8 =	vmul.f32 v8, v6  }
0x32: {  	v14 =	vmax.f32 v14, $1.000000000e-30;
	v15 =	vadd.f32 $-1.108194070e-01, v15;
	v12 =	vmax.f32 v11, v10  }
0x33: {  	v16 =	vmul.f32 $5.000000000e-01, v14;
	v12 =	vmax.f32 v12, $1.000000000e-30;
	v8 =	vadd.f32 $-3.424470420e-01, v8  }
0x34: {  	v15 =	vmul.f32 v15, v13;
	(erf) = vrcp.f32 v12;
	v12 =	vshrl.u32 v14, $0x1  }
0x35: {  	v12 =	vsub.s32 $0x5F3759DF, v12;
	v8 =	vmul.f32 v8, v6  }
0x36: {  	v15 =	vadd.f32 $2.709229290e-01, v15;
	v17 =	vmul.f32 v12, v16  }
0x37: {  	v8 =	vadd.f32 $5.060373540e-01, v8  }
0x38: {  	v15 =	vmul.f32 v15, v13;
	v17 =	vmul.f32 v12, v17  }
0x39: {  	v8 =	vmul.f32 v8, v6  }
0x3a: {  	v15 =	vadd.f32 $-4.954870940e-01, v15;
	v17 =	vsub.f32 $1.500000000e+00, v17  }
0x3b: {  	v8 =	vadd.f32 $-8.486314410e-01, v8  }
0x3c: {  	v15 =	vmul.f32 v15, v13;
	v12 =	vmul.f32 v12, v17  }
0x3d: {  	v6 =	vmul.f32 v8, v6  }
0x3e: {  	v15 =	vadd.f32 $9.036750190e-01, v15;
	v17 =	vmin.f32 v11, v10;
	v18 =	vpop (erf);
	v16 =	vmul.f32 v12, v16  }
0x3f: {  	v8 =	vmul.f32 v18, v17;
	v6 =	vadd.f32 $2.546477080e+00, v6  }
0x40: {  	v15 =	vmul.f32 v15, v13;
	v16 =	vmul.f32 v16, v12  }
0x41: {  	v17 =	vmul.f32 v8, v8;
	v5 =	vmul.f32 v6, v5  }
0x42: {  	v15 =	vadd.f32 $-2.185714240e+00, v15;
	v16 =	vsub.f32 $1.500000000e+00, v16  }
0x43: {  	v6 =	vmul.f32 $1.947637270e-02, v17;
	v19 =	vsub.f32 $4.000000000e+00, v5  }
0x44: {  	vm0 =	vgt.f32 v3, v4;
	v4 =	vmul.f32 v15, v13;
	v18 =	vld [tilespmem:s21+$0xFFFFFFF0];
	v3 =	vmul.f32 v16, v12  }
0x45: {  	v6 =	vadd.f32 $-9.259107700e-02, v6;
	v5 =	vsel vm0, v19, v5  }
0x46: {  	v4 =	vadd.f32 $1.599999810e+01, v4;
	v3 =	vmul.f32 v3, v14;
	v12 =	vsub.f32 $8.000000000e+00, v5  }
0x47: {  	vm12 =	vlt.f32 v2, $0.0e+00;
	v6 =	vmul.f32 v6, v17  }
0x48: {  	v3 =	vmul.f32 v3, v4;
	v2 =	vsel vm12, v12, v5  }
0x49: {  	v13 =	vand.u32 $0x7FFFFFFF, v18;
	v5 =	vadd.f32 $2.116797720e-01, v6;
	v4 =	vsub.f32 $0.0e+00, v2  }
0x4a: {  	vm13 =	vlt.f32 v1, $0.0e+00;
	v6 =	vmul.f32 $2.248699960e-02, v13  }
0x4b: {  	v1 =	vmul.f32 v5, v17;
	v5 =	vsub.f32 $3.200000000e+01, v3;
	v2 =	vsel vm13, v4, v2  }
0x4c: {  	vm14 =	vlt.f32 v9, $0.0e+00;
	v4 =	vsub.f32 $1.000000000e+00, v13;
	v9 =	vadd.f32 $7.500000000e+00, v2  }
0x4d: {  	v2 =	vadd.f32 $-1.108194070e-01, v6;
	v1 =	vadd.f32 $-3.424470420e-01, v1;
	v3 =	vsel vm14, v5, v3  }
0x4e: {  	v4 =	vmax.f32 v4, $1.000000000e-30;
	v3 =	vadd.f32 $-5.000000000e-01, v3;
	v5 =	vadd.f32 $1.000000000e+00, v9  }
0x4f: {  	v6 =	vshrl.u32 v4, $0x1;
	v2 =	vmul.f32 v2, v13;
	v12 =	vmul.f32 $5.000000000e-01, v4  }
0x50: {  	v1 =	vmul.f32 v1, v17;
	v14 =	vadd.f32 $1.000000000e+00, v3;
	v5 =	vtrunc.f32 v5  }
0x51: {  	v6 =	vsub.s32 $0x5F3759DF, v6;
	v2 =	vadd.f32 $2.709229290e-01, v2;
	v5 =	vcvt.f32.s32 v5  }
0x52: {  	v15 =	vmul.f32 v6, v12;
	v14 =	vtrunc.f32 v14  }
0x53: {  	v2 =	vmul.f32 v2, v13;
	v14 =	vcvt.f32.s32 v14;
	v5 =	vadd.s32 $0xFFFFFFFF, v5  }
0x54: {  	v1 =	vadd.f32 $5.060373540e-01, v1;
	v16 =	vmul.u32 $0x22, v5  }
0x55: {  	v15 =	vmul.f32 v6, v15;
	v19 =	vadd.f32 $-4.954870940e-01, v2;
	v14 =	vadd.s32 $0xFFFFFFFF, v14  }
0x56: {  	v1 =	vmul.f32 v1, v17;
	v2 =	vadd.s32 v14, v16  }
0x57: {  	v15 =	vsub.f32 $1.500000000e+00, v15;
	v16 =	vmul.f32 v19, v13;
	v19 =	vadd.s32 $0x23, v2  }
0x58: {  	v1 =	vadd.f32 $-8.486314410e-01, v1;
	v20 =	vadd.s32 $0x24, v2  }
0x59: {  	v5 =	vcvt.s32.f32 v5;
	v15 =	vmul.f32 v6, v15;
	v6 =	vadd.f32 $9.036750190e-01, v16  }
0x5a: {  	v1 =	vmul.f32 v1, v17;
	v14 =	vcvt.s32.f32 v14;
	v16 =	vadd.s32 $0x45, v2  }
0x5b: {  	v9 =	vsub.f32 v9, v5;
	v12 =	vmul.f32 v15, v12;
	v6 =	vmul.f32 v6, v13  }
0x5c: {  	v1 =	vadd.f32 $2.546477080e+00, v1;
	v14 =	vsub.f32 v3, v14;
	v17 =	vld.idx.msk [tilespmem:v19+s11+$0x0], $0xffff;
	v19 =	vadd.s32 $0x46, v2  }
0x5d: {  	v3 =	vmul.f32 v12, v15;
	v5 =	vadd.f32 $-2.185714240e+00, v6;
	v12 =	vld.idx.msk [tilespmem:v20+s11+$0x0], $0xffff  }
0x5e: {  	v1 =	vmul.f32 v1, v8;
	v8 =	vsub.f32 $1.000000000e+00, v14;
	v6 =	vsub.f32 $1.000000000e+00, v9  }
0x5f: {  	vm15 =	vlt.f32 v7, $0.0e+00;
	v3 =	vsub.f32 $1.500000000e+00, v3;
	v7 =	vmul.f32 v5, v13;
	v13 =	vld.idx.msk [tilespmem:v16+s11+$0x0], $0xffff  }
0x60: {  	v16 =	vsub.f32 $4.000000000e+00, v1;
	v5 =	vmul.f32 v6, v8;
	v6 =	vmul.f32 v6, v14  }
0x61: {  	vm1 =	vgt.f32 v11, v10;
	v10 =	vmul.f32 v3, v15;
	v3 =	vmul.f32 v9, v8;
	v11 =	vld.idx.msk [tilespmem:v19+s11+$0x0], $0xffff  }
0x62: {  	v1 =	vsel vm1, v16, v1;
	v8 =	vmul.f32 v5, v17;
	v12 =	vmul.f32 v6, v12  }
0x63: {  	s22 =	simm.s32 $0x830;
	v7 =	vadd.f32 $1.599999810e+01, v7;
	v10 =	vmul.f32 v10, v4;
	v15 =	vsub.f32 $8.000000000e+00, v1  }
0x64: {  	s23 =	simm.s32 $0x30;
	v16 =	vld [tilespmem:s22+$0x0];
	v4 =	vmul.f32 v9, v14;
	v8 =	vadd.f32 v12, v8;
	v9 =	vmul.f32 v3, v13  }
0x65: {  	v10 =	vmul.f32 v10, v7;
	v7 =	vld [tilespmem:s23+$0x0];
	v1 =	vsel vm15, v15, v1  }
0x66: {  	v12 =	vsub.f32 $0.0e+00, v1;
	v8 =	vadd.f32 v8, v9;
	v9 =	vmul.f32 v4, v11  }
0x67: {  	vm4 =	vlt.f32 v0, $0.0e+00;
	v0 =	vsub.f32 $3.200000000e+01, v10  }
0x68: {  	vm5 =	vlt.f32 v18, $0.0e+00;
	v1 =	vsel vm4, v12, v1;
	v9 =	vadd.f32 v8, v9  }
0x69: {  	v0 =	vsel vm5, v0, v10;
	v11 =	vadd.f32 $7.500000000e+00, v1;
	v8 =	vxor.u32 $0x80000000, v16  }
0x6a: {  	v10 =	vand.u32 $0x7FFFFFFF, v7;
	v15 =	vand.u32 $0x7FFFFFFF, v8;
	v1 =	vmul.f32 $1.442695020e+00, v9  }
0x6b: {  	v9 =	vadd.f32 $-5.000000000e-01, v0;
	v0 =	vmax.f32 v10, v15  }
0x6c: {  	v12 =	vadd.f32 $1.000000000e+00, v11;
	v0 =	vmax.f32 v0, $1.000000000e-30;
	(erf) = vpow2.f32 v1  }
0x6d: {  	(erf) = vrcp.f32 v0  }
0x6e: {  	v1 =	vtrunc.f32 v12;
	v12 =	vld [tilespmem:s22+$0xFFFFFFF0];
	v0 =	vadd.f32 $1.000000000e+00, v9  }
0x6f: {  	v13 =	vcvt.f32.s32 v1;
	v1 =	vld [tilespmem:s23+$0xFFFFFFF0]  }
0x70: {  	v0 =	vtrunc.f32 v0  }
0x71: {  	v13 =	vadd.s32 $0xFFFFFFFF, v13;
	v0 =	vcvt.f32.s32 v0  }
0x72: {  	v21 =	vadd.s32 $0x287, v2;
	v14 =	vmul.u32 $0x22, v13  }
0x73: {  	v22 =	vmin.f32 v10, v15;
	v12 =	vxor.u32 $0x80000000, v12;
	v16 =	vadd.s32 $0xFFFFFFFF, v0  }
0x74: {  	v17 =	vand.u32 $0x7FFFFFFF, v1;
	v0 =	vadd.s32 v16, v14;
	v14 =	vand.u32 $0x7FFFFFFF, v12  }
0x75: {  	s25 =	simm.s32 $0x430;
	v13 =	vcvt.s32.f32 v13;
	v18 =	vmax.f32 v17, v14;
	v19 =	vadd.s32 $0x23, v0;
	v20 =	vpop (erf)  }
0x76: {  	v27 =	vld [tilespmem:s25+$0x0];
	v25 =	vmin.f32 v17, v14;
	vm7 =	vgt.f32 v17, v14;
	v18 =	vmax.f32 v18, $1.000000000e-30;
	v23 =	vpop (erf)  }
0x77: {  	v17 =	vadd.s32 $0x2AA, v2;
	(erf) = vrcp.f32 v18;
	v22 =	vmul.f32 v23, v22  }
0x78: {  	s24 =	simm.s32 $0x1390;
	v16 =	vcvt.s32.f32 v16;
	v18 =	vadd.s32 $0x288, v2  }
0x79: {  	v11 =	vsub.f32 v11, v13;
	v13 =	vadd.s32 $0x24, v0;
	[tilespmem:s24+$0x0] =	vst v20;
	v23 =	vmul.f32 v22, v22  }
0x7a: {  	v9 =	vsub.f32 v9, v16;
	v16 =	vld.idx.msk [tilespmem:v21+s11+$0x0], $0xffff  }
0x7b: {  	vm10 =	vlt.f32 v27, $0.0e+00;
	v59 =	vadd.s32 $0x4EC, v2;
	v24 =	vld.idx.msk [tilespmem:v19+s11+$0x0], $0xffff;
	v19 =	vmul.f32 $1.947637270e-02, v23  }
0x7c: {  	v20 =	vsub.f32 $1.000000000e+00, v11;
	v21 =	vadd.s32 $0x2A9, v2;
	v26 =	vsub.f32 $1.000000000e+00, v9;
	v17 =	vld.idx.msk [tilespmem:v17+s11+$0x0], $0xffff  }
0x7d: {  	vm6 =	vlt.f32 v12, $0.0e+00;
	v12 =	vmul.f32 v11, v9;
	v18 =	vld.idx.msk [tilespmem:v18+s11+$0x0], $0xffff;
	v28 =	vadd.f32 $-9.259107700e-02, v19  }
0x7e: {  	vm9 =	vlt.f32 v7, $0.0e+00;
	v30 =	vld.idx.msk [tilespmem:v13+s11+$0x0], $0xffff;
	v13 =	vmul.f32 v20, v9;
	v19 =	vmul.f32 v20, v26  }
0x7f: {  	v29 =	vadd.s32 $0x45, v0;
	v14 =	vmul.f32 v11, v26;
	v28 =	vmul.f32 v28, v23  }
0x80: {  	v16 =	vmul.f32 v5, v16;
	v9 =	vpop (erf);
	v20 =	vmul.f32 v19, v24;
	v24 =	vand.u32 $0x7FFFFFFF, v27  }
0x81: {  	v11 =	vmul.f32 v9, v25;
	v9 =	vld.idx.msk [tilespmem:v21+s11+$0x0], $0xffff;
	v26 =	vmul.f32 $2.248699960e-02, v24;
	v21 =	vadd.f32 $2.116797720e-01, v28  }
0x82: {  	vm8 =	vlt.f32 v8, $0.0e+00;
	v17 =	vmul.f32 v4, v17;
	v18 =	vmul.f32 v6, v18  }
0x83: {  	v25 =	vsub.f32 $1.000000000e+00, v24;
	v26 =	vadd.f32 $-1.108194070e-01, v26;
	v21 =	vmul.f32 v21, v23  }
0x84: {  	v28 =	vmul.f32 v13, v30;
	v30 =	vmul.f32 v11, v11;
	v16 =	vadd.f32 v18, v16  }
0x85: {  	v25 =	vmax.f32 v25, $1.000000000e-30;
	v26 =	vmul.f32 v26, v24;
	v21 =	vadd.f32 $-3.424470420e-01, v21  }
0x86: {  	v18 =	vld.idx.msk [tilespmem:v29+s11+$0x0], $0xffff;
	v29 =	vshrl.u32 v25, $0x1;
	v32 =	vmul.f32 $5.000000000e-01, v25;
	v9 =	vmul.f32 v3, v9  }
0x87: {  	v29 =	vsub.s32 $0x5F3759DF, v29;
	v26 =	vadd.f32 $2.709229290e-01, v26;
	v21 =	vmul.f32 v21, v23  }
0x88: {  	v34 =	vmul.f32 $1.947637270e-02, v30;
	v33 =	vmul.f32 v29, v32;
	v16 =	vadd.f32 v16, v9  }
0x89: {  	v20 =	vadd.f32 v28, v20;
	v26 =	vmul.f32 v26, v24;
	v21 =	vadd.f32 $5.060373540e-01, v21  }
0x8a: {  	v57 =	vadd.f32 $-9.259107700e-02, v34;
	v16 =	vadd.f32 v16, v17;
	v17 =	vmul.f32 v29, v33  }
0x8b: {  	v18 =	vmul.f32 v14, v18;
	v9 =	vld [tilespmem:s25+$0xFFFFFFF0];
	v26 =	vadd.f32 $-4.954870940e-01, v26;
	v21 =	vmul.f32 v21, v23  }
0x8c: {  	v28 =	vmul.f32 v57, v30;
	v16 =	vmul.f32 $1.442695020e+00, v16;
	v17 =	vsub.f32 $1.500000000e+00, v17  }
0x8d: {  	v18 =	vadd.f32 v20, v18;
	v20 =	vmul.f32 v26, v24;
	v21 =	vadd.f32 $-8.486314410e-01, v21  }
0x8e: {  	vm2 =	vgt.f32 v10, v15;
	(erf) = vpow2.f32 v16;
	v16 =	vmul.f32 v29, v17  }
0x8f: {  	vm11 =	vlt.f32 v1, $0.0e+00;
	v20 =	vadd.f32 $9.036750190e-01, v20;
	v21 =	vmul.f32 v21, v23  }
0x90: {  	v26 =	vadd.f32 $2.116797720e-01, v28;
	v17 =	vand.u32 $0x7FFFFFFF, v9;
	v28 =	vmul.f32 v16, v32  }
0x91: {  	v29 =	vmul.f32 $2.248699960e-02, v17;
	v20 =	vmul.f32 v20, v24;
	v21 =	vadd.f32 $2.546477080e+00, v21  }
0x92: {  	v31 =	vadd.s32 $0x46, v0;
	v26 =	vmul.f32 v26, v30;
	v28 =	vmul.f32 v28, v16  }
0x93: {  	v23 =	vsub.f32 $1.000000000e+00, v17;
	v20 =	vadd.f32 $-2.185714240e+00, v20;
	v21 =	vmul.f32 v21, v22  }
0x94: {  	v22 =	vadd.f32 $-1.108194070e-01, v29;
	v29 =	vadd.s32 $0x4EB, v2;
	v28 =	vsub.f32 $1.500000000e+00, v28  }
0x95: {  	v26 =	vadd.f32 $-3.424470420e-01, v26;
	v23 =	vmax.f32 v23, $1.000000000e-30;
	v60 =	vsub.f32 $4.000000000e+00, v21  }
0x96: {  	v15 =	vmul.f32 v28, v16;
	v16 =	vmul.f32 v20, v24;
	v24 =	vadd.s32 $0x50D, v2  }
0x97: {  	s21 =	simm.s32 $0x1790;
	v8 =	vmul.f32 v26, v30;
	v2 =	vadd.s32 $0x50E, v2;
	v10 =	vpop (erf);
	v20 =	vsel vm2, v60, v21  }
0x98: {  	[tilespmem:s21+$0x0] =	vst v10;
	v15 =	vmul.f32 v15, v25;
	v16 =	vadd.f32 $1.599999810e+01, v16;
	v10 =	vsub.f32 $8.000000000e+00, v20  }
0x99: {  	vm12 =	vlt.f32 v9, $0.0e+00;
	v58 =	vshrl.u32 v23, $0x1;
	v8 =	vadd.f32 $5.060373540e-01, v8;
	v28 =	vld.idx.msk [tilespmem:v29+s11+$0x0], $0xffff  }
0x9a: {  	v22 =	vmul.f32 v22, v17;
	v25 =	vld.idx.msk [tilespmem:v59+s11+$0x0], $0xffff;
	v15 =	vmul.f32 v15, v16;
	v10 =	vsel vm8, v10, v20  }
0x9b: {  	v8 =	vmul.f32 v8, v30;
	v20 =	vmul.f32 $5.000000000e-01, v23;
	v24 =	vld.idx.msk [tilespmem:v24+s11+$0x0], $0xffff;
	v16 =	vsub.f32 $0.0e+00, v10  }
0x9c: {  	v21 =	vsub.s32 $0x5F3759DF, v58;
	v22 =	vadd.f32 $2.709229290e-01, v22;
	v2 =	vld.idx.msk [tilespmem:v2+s11+$0x0], $0xffff;
	v26 =	vsub.f32 $3.200000000e+01, v15  }
0x9d: {  	v8 =	vadd.f32 $-8.486314410e-01, v8;
	v7 =	vmul.f32 v21, v20;
	v10 =	vsel vm9, v16, v10  }
0x9e: {  	v16 =	vmul.f32 v22, v17;
	v15 =	vsel vm10, v26, v15;
	v10 =	vadd.f32 $7.500000000e+00, v10  }
0x9f: {  	v5 =	vmul.f32 v5, v28;
	v6 =	vmul.f32 v6, v25;
	v15 =	vadd.f32 $-5.000000000e-01, v15  }
0xa0: {  	v7 =	vmul.f32 v21, v7;
	v16 =	vadd.f32 $-4.954870940e-01, v16;
	v22 =	vadd.f32 $1.000000000e+00, v10  }
0xa1: {  	s31 =	simm.s32 $0x450;
	v5 =	vadd.f32 v6, v5;
	v3 =	vmul.f32 v3, v24;
	v2 =	vmul.f32 v4, v2  }
0xa2: {  	v42 =	vld [tilespmem:s31+$0x0];
	v6 =	vadd.f32 $1.000000000e+00, v15;
	v7 =	vsub.f32 $1.500000000e+00, v7;
	v22 =	vtrunc.f32 v22  }
0xa3: {  	v3 =	vadd.f32 v5, v3;
	v5 =	vmul.f32 v8, v30;
	v22 =	vcvt.f32.s32 v22  }
0xa4: {  	v9 =	vadd.s32 $0x287, v0;
	v24 =	vld.idx.msk [tilespmem:v31+s11+$0x0], $0xffff;
	v8 =	vmul.f32 v16, v17;
	v4 =	vtrunc.f32 v6  }
0xa5: {  	v7 =	vmul.f32 v21, v7;
	v4 =	vcvt.f32.s32 v4;
	v6 =	vadd.s32 $0xFFFFFFFF, v22  }
0xa6: {  	v2 =	vadd.f32 v3, v2;
	v3 =	vadd.f32 $2.546477080e+00, v5;
	v16 =	vmul.u32 $0x22, v6  }
0xa7: {  	vm8 =	vlt.f32 v42, $0.0e+00;
	v8 =	vadd.f32 $9.036750190e-01, v8;
	v5 =	vadd.s32 $0xFFFFFFFF, v4  }
0xa8: {  	v20 =	vmul.f32 v7, v20;
	v3 =	vmul.f32 v3, v11;
	v4 =	vadd.s32 v5, v16  }
0xa9: {  	v2 =	vmul.f32 $1.442695020e+00, v2;
	v16 =	vmul.f32 v12, v24;
	v11 =	vadd.s32 $0x23, v4  }
0xaa: {  	v8 =	vmul.f32 v8, v17;
	v6 =	vcvt.s32.f32 v6;
	v21 =	vadd.s32 $0x24, v4  }
0xab: {  	v22 =	vadd.s32 $0x45, v4;
	v16 =	vadd.f32 v18, v16;
	v18 =	vmul.f32 v20, v7  }
0xac: {  	v8 =	vadd.f32 $-2.185714240e+00, v8;
	v5 =	vcvt.s32.f32 v5;
	v20 =	vsub.f32 $4.000000000e+00, v3  }
0xad: {  	v6 =	vsub.f32 v10, v6;
	v24 =	vadd.s32 $0x46, v4;
	v18 =	vsub.f32 $1.500000000e+00, v18  }
0xae: {  	v8 =	vmul.f32 v8, v17;
	v5 =	vsub.f32 v15, v5;
	v3 =	vsel vm7, v20, v3;
	v20 =	vld.idx.msk [tilespmem:v11+s11+$0x0], $0xffff  }
0xaf: {  	v25 =	vadd.s32 $0x288, v0;
	v16 =	vmul.f32 $1.442695020e+00, v16;
	v7 =	vmul.f32 v18, v7;
	v17 =	vld.idx.msk [tilespmem:v21+s11+$0x0], $0xffff  }
0xb0: {  	s26 =	simm.s32 $0x850;
	(erf) = vpow2.f32 v2;
	v15 =	vsub.f32 $1.000000000e+00, v6;
	v2 =	vsub.f32 $1.000000000e+00, v5;
	v18 =	vld.idx.msk [tilespmem:v22+s11+$0x0], $0xffff  }
0xb1: {  	v8 =	vadd.f32 $1.599999810e+01, v8;
	(erf) = vpow2.f32 v16;
	v16 =	vld [tilespmem:s26+$0x0];
	v7 =	vmul.f32 v7, v23  }
0xb2: {  	v10 =	vsub.f32 $8.000000000e+00, v3;
	v11 =	vmul.f32 v15, v2;
	v15 =	vmul.f32 v15, v5  }
0xb3: {  	v28 =	vadd.s32 $0x2A9, v0;
	v22 =	vld.idx.msk [tilespmem:v24+s11+$0x0], $0xffff;
	v21 =	vmul.f32 v7, v8;
	v7 =	vmul.f32 v6, v2  }
0xb4: {  	v3 =	vsel vm6, v10, v3;
	v1 =	vmul.f32 v11, v20;
	v2 =	vmul.f32 v15, v17  }
0xb5: {  	s22 =	simm.s32 $0x50;
	v35 =	vadd.s32 $0x288, v4;
	v10 =	vsub.f32 $0.0e+00, v3;
	v8 =	vmul.f32 v6, v5  }
0xb6: {  	v24 =	vxor.u32 $0x80000000, v16;
	v16 =	vld [tilespmem:s22+$0xFFFFFFF0];
	v1 =	vadd.f32 v2, v1;
	v2 =	vmul.f32 v7, v18  }
0xb7: {  	v37 =	vadd.s32 $0x2A9, v4;
	v50 =	vadd.s32 $0x2AA, v4;
	v3 =	vsel vm11, v10, v3;
	v18 =	vld [tilespmem:s22+$0x0]  }
0xb8: {  	v10 =	vsub.f32 $3.200000000e+01, v21;
	v1 =	vadd.f32 v1, v2;
	v2 =	vmul.f32 v8, v22  }
0xb9: {  	v23 =	vadd.s32 $0x4EC, v0;
	v6 =	vadd.s32 $0x2AA, v0;
	v3 =	vadd.f32 $7.500000000e+00, v3  }
0xba: {  	v27 =	vand.u32 $0x7FFFFFFF, v24;
	v5 =	vsel vm12, v10, v21;
	v1 =	vadd.f32 v1, v2  }
0xbb: {  	vm6 =	vlt.f32 v24, $0.0e+00;
	v21 =	vld [tilespmem:s26+$0xFFFFFFF0];
	v10 =	vadd.f32 $-5.000000000e-01, v5;
	v5 =	vadd.f32 $1.000000000e+00, v3  }
0xbc: {  	v31 =	vand.u32 $0x7FFFFFFF, v16;
	v26 =	vand.u32 $0x7FFFFFFF, v18;
	v1 =	vmul.f32 $1.442695020e+00, v1  }
0xbd: {  	v20 =	vpop (erf);
	v2 =	vadd.f32 $1.000000000e+00, v10;
	v5 =	vtrunc.f32 v5;
	v17 =	vmax.f32 v26, v27  }
0xbe: {  	v22 =	vpop (erf);
	v5 =	vcvt.f32.s32 v5;
	v17 =	vmax.f32 v17, $1.000000000e-30;
	(erf) = vpow2.f32 v1  }
0xbf: {  	[tilespmem:s24+$0xFFFFFFF0] =	vst v22;
	v22 =	vadd.s32 $0x50D, v0;
	v2 =	vtrunc.f32 v2;
	(erf) = vrcp.f32 v17  }
0xc0: {  	v29 =	vxor.u32 $0x80000000, v21;
	v1 =	vcvt.f32.s32 v2;
	v2 =	vadd.s32 $0xFFFFFFFF, v5  }
0xc1: {  	vm15 =	vlt.f32 v16, $0.0e+00;
	v30 =	vand.u32 $0x7FFFFFFF, v29;
	v5 =	vmul.u32 $0x22, v2  }
0xc2: {  	v9 =	vld.idx.msk [tilespmem:v9+s11+$0x0], $0xffff;
	vm7 =	vlt.f32 v18, $0.0e+00;
	v21 =	vmax.f32 v31, v30;
	v1 =	vadd.s32 $0xFFFFFFFF, v1  }
0xc3: {  	v25 =	vld.idx.msk [tilespmem:v25+s11+$0x0], $0xffff;
	v17 =	vadd.s32 $0x4EB, v0;
	v2 =	vcvt.s32.f32 v2;
	v5 =	vadd.s32 v1, v5  }
0xc4: {  	v28 =	vld.idx.msk [tilespmem:v28+s11+$0x0], $0xffff;
	v61 =	vmax.f32 v21, $1.000000000e-30;
	v21 =	vadd.s32 $0x50E, v0;
	v0 =	vadd.s32 $0x24, v5  }
0xc5: {  	v6 =	vld.idx.msk [tilespmem:v6+s11+$0x0], $0xffff;
	vm13 =	vlt.f32 v29, $0.0e+00;
	v29 =	vadd.s32 $0x287, v4;
	(erf) = vrcp.f32 v61  }
0xc6: {  	v48 =	vmin.f32 v31, v30;
	vm14 =	vgt.f32 v31, v30;
	v1 =	vcvt.s32.f32 v1  }
0xc7: {  	v30 =	vmin.f32 v26, v27;
	v3 =	vsub.f32 v3, v2;
	v62 =	vadd.s32 $0x23, v5;
	v2 =	vpop (erf)  }
0xc8: {  	s30 =	simm.s32 $0x13B0;
	v63 =	vmul.f32 v19, v9;
	v41 =	vmul.f32 v13, v25;
	v1 =	vsub.f32 v10, v1;
	v31 =	vpop (erf)  }
0xc9: {  	v25 =	vmul.f32 v14, v28;
	v38 =	vadd.s32 $0x46, v5;
	v36 =	vld.idx.msk [tilespmem:v0+s11+$0x0], $0xffff;
	[tilespmem:s30+$0x0] =	vst v2;
	v31 =	vmul.f32 v31, v30  }
0xca: {  	v6 =	vmul.f32 v12, v6;
	v49 =	vsub.f32 $1.000000000e+00, v3;
	v16 =	vsub.f32 $1.000000000e+00, v1;
	v39 =	vld.idx.msk [tilespmem:v29+s11+$0x0], $0xffff  }
0xcb: {  	v9 =	vadd.s32 $0x45, v5;
	v0 =	vmul.f32 v3, v1;
	v35 =	vld.idx.msk [tilespmem:v35+s11+$0x0], $0xffff;
	v40 =	vmul.f32 v31, v31  }
0xcc: {  	vm3 =	vgt.f32 v26, v27;
	v10 =	vld.idx.msk [tilespmem:v62+s11+$0x0], $0xffff;
	v1 =	vmul.f32 v49, v1;
	v3 =	vmul.f32 v3, v16  }
0xcd: {  	v28 =	vadd.f32 v41, v63;
	v2 =	vmul.f32 v49, v16;
	v51 =	vld.idx.msk [tilespmem:v37+s11+$0x0], $0xffff;
	v43 =	vmul.f32 $1.947637270e-02, v40  }
0xce: {  	v18 =	vld.idx.msk [tilespmem:v38+s11+$0x0], $0xffff;
	v16 =	vadd.s32 $0x287, v5;
	v49 =	vadd.s32 $0x50D, v4;
	v29 =	vpop (erf);
	v37 =	vand.u32 $0x7FFFFFFF, v42  }
0xcf: {  	v53 =	vld.idx.msk [tilespmem:v50+s11+$0x0], $0xffff;
	v29 =	vmul.f32 v29, v48;
	v45 =	vmul.f32 $2.248699960e-02, v37;
	v43 =	vadd.f32 $-9.259107700e-02, v43  }
0xd0: {  	v30 =	vld.idx.msk [tilespmem:v9+s11+$0x0], $0xffff;
	v9 =	vadd.s32 $0x288, v5;
	v39 =	vmul.f32 v11, v39;
	v54 =	vmul.f32 v15, v35  }
0xd1: {  	v58 =	vsub.f32 $1.000000000e+00, v37;
	v52 =	vmul.f32 v2, v10;
	v55 =	vmul.f32 v43, v40  }
0xd2: {  	v36 =	vmul.f32 v1, v36;
	v34 =	vmul.f32 v7, v51;
	v33 =	vadd.f32 v54, v39  }
0xd3: {  	v44 =	vmul.f32 v29, v29;
	v60 =	vmax.f32 v58, $1.000000000e-30;
	v35 =	vadd.f32 $2.116797720e-01, v55  }
0xd4: {  	v18 =	vmul.f32 v0, v18;
	v32 =	vmul.f32 v8, v53;
	v33 =	vadd.f32 v33, v34  }
0xd5: {  	v61 =	vadd.f32 $-1.108194070e-01, v45;
	v62 =	vmul.f32 $5.000000000e-01, v60;
	v59 =	vmul.f32 v35, v40  }
0xd6: {  	v56 =	vmul.f32 v3, v30;
	v36 =	vadd.f32 v36, v52;
	v32 =	vadd.f32 v33, v32  }
0xd7: {  	v57 =	vmul.f32 $1.947637270e-02, v44;
	v30 =	vld [tilespmem:s31+$0xFFFFFFF0];
	v41 =	vmul.f32 v61, v37;
	v34 =	vadd.f32 $-3.424470420e-01, v59  }
0xd8: {  	v36 =	vadd.f32 v36, v56;
	v43 =	vshrl.u32 v60, $0x1;
	v32 =	vmul.f32 $1.442695020e+00, v32  }
0xd9: {  	v39 =	vadd.f32 $-9.259107700e-02, v57;
	v63 =	vsub.s32 $0x5F3759DF, v43;
	v34 =	vmul.f32 v34, v40  }
0xda: {  	v41 =	vadd.f32 $2.709229290e-01, v41;
	v43 =	vmul.f32 v63, v62;
	(erf) = vpow2.f32 v32  }
0xdb: {  	v54 =	vadd.s32 $0x4EB, v4;
	v39 =	vmul.f32 v39, v44;
	v34 =	vadd.f32 $5.060373540e-01, v34  }
0xdc: {  	v51 =	vmul.f32 v41, v37;
	v46 =	vand.u32 $0x7FFFFFFF, v30;
	v43 =	vmul.f32 v63, v43  }
0xdd: {  	v47 =	vsub.f32 $1.000000000e+00, v46;
	v39 =	vadd.f32 $2.116797720e-01, v39;
	v34 =	vmul.f32 v34, v40  }
0xde: {  	v55 =	vadd.s32 $0x4EC, v4;
	v43 =	vsub.f32 $1.500000000e+00, v43;
	v32 =	vadd.f32 $-4.954870940e-01, v51  }
0xdf: {  	v52 =	vmul.f32 $2.248699960e-02, v46;
	v39 =	vmul.f32 v39, v44;
	v34 =	vadd.f32 $-8.486314410e-01, v34  }
0xe0: {  	v47 =	vmax.f32 v47, $1.000000000e-30;
	v33 =	vmul.f32 v63, v43;
	v32 =	vmul.f32 v32, v37  }
0xe1: {  	v41 =	vadd.f32 $-1.108194070e-01, v52;
	v48 =	vshrl.u32 v47, $0x1;
	v34 =	vmul.f32 v34, v40  }
0xe2: {  	v56 =	vmul.f32 $5.000000000e-01, v47;
	v53 =	vmul.f32 v33, v62;
	v32 =	vadd.f32 $9.036750190e-01, v32  }
0xe3: {  	s19 =	simm.s32 $0x17B0;
	v39 =	vadd.f32 $-3.424470420e-01, v39;
	v41 =	vmul.f32 v41, v46;
	v50 =	vpop (erf);
	v34 =	vadd.f32 $2.546477080e+00, v34  }
0xe4: {  	v48 =	vsub.s32 $0x5F3759DF, v48;
	v32 =	vmul.f32 v32, v37;
	v40 =	vmul.f32 v53, v33;
	[tilespmem:s19+$0x0] =	vst v50  }
0xe5: {  	v4 =	vadd.s32 $0x50E, v4;
	v26 =	vmul.f32 v48, v56;
	v43 =	vld.idx.msk [tilespmem:v54+s11+$0x0], $0xffff;
	v31 =	vmul.f32 v34, v31  }
0xe6: {  	v39 =	vmul.f32 v39, v44;
	v32 =	vadd.f32 $-2.185714240e+00, v32;
	v40 =	vsub.f32 $1.500000000e+00, v40;
	v45 =	vld.idx.msk [tilespmem:v55+s11+$0x0], $0xffff  }
0xe7: {  	v41 =	vadd.f32 $2.709229290e-01, v41;
	v26 =	vmul.f32 v48, v26;
	v57 =	vsub.f32 $4.000000000e+00, v31  }
0xe8: {  	v18 =	vadd.f32 v36, v18;
	v32 =	vmul.f32 v32, v37;
	v58 =	vld.idx.msk [tilespmem:v49+s11+$0x0], $0xffff;
	v33 =	vmul.f32 v40, v33  }
0xe9: {  	v39 =	vadd.f32 $5.060373540e-01, v39;
	v27 =	vmul.f32 v41, v46;
	v31 =	vsel vm3, v57, v31  }
0xea: {  	v4 =	vld.idx.msk [tilespmem:v4+s11+$0x0], $0xffff;
	v32 =	vadd.f32 $1.599999810e+01, v32;
	v33 =	vmul.f32 v33, v60;
	v59 =	vsub.f32 $8.000000000e+00, v31  }
0xeb: {  	v26 =	vsub.f32 $1.500000000e+00, v26;
	v11 =	vmul.f32 v11, v43;
	v15 =	vmul.f32 v15, v45  }
0xec: {  	v24 =	vadd.f32 $-4.954870940e-01, v27;
	v27 =	vmul.f32 v33, v32;
	v31 =	vsel vm6, v59, v31  }
0xed: {  	v7 =	vmul.f32 v7, v58;
	v11 =	vadd.f32 v15, v11;
	v60 =	vsub.f32 $0.0e+00, v31  }
0xee: {  	v39 =	vmul.f32 v39, v44;
	v24 =	vmul.f32 v24, v46;
	v33 =	vsub.f32 $3.200000000e+01, v27  }
0xef: {  	v4 =	vmul.f32 v8, v4;
	v7 =	vadd.f32 v11, v7;
	v15 =	vsel vm7, v60, v31  }
0xf0: {  	v24 =	vadd.f32 $9.036750190e-01, v24;
	v27 =	vsel vm8, v33, v27;
	v15 =	vadd.f32 $7.500000000e+00, v15  }
0xf1: {  	v18 =	vmul.f32 $1.442695020e+00, v18;
	v11 =	vadd.f32 $-5.000000000e-01, v27;
	v4 =	vadd.f32 v7, v4  }
0xf2: {  	v8 =	vmul.f32 v48, v26;
	v31 =	vadd.f32 $-8.486314410e-01, v39;
	v26 =	vadd.f32 $1.000000000e+00, v15  }
0xf3: {  	v10 =	vadd.s32 $0x2A9, v5;
	v24 =	vmul.f32 v24, v46;
	v4 =	vmul.f32 $1.442695020e+00, v4  }
0xf4: {  	v27 =	vmul.f32 v31, v44;
	v31 =	vadd.f32 $1.000000000e+00, v11;
	v26 =	vtrunc.f32 v26  }
0xf5: {  	vm9 =	vlt.f32 v30, $0.0e+00;
	v7 =	vmul.f32 v8, v56;
	v26 =	vcvt.f32.s32 v26  }
0xf6: {  	(erf) = vpow2.f32 v4;
	v27 =	vadd.f32 $2.546477080e+00, v27;
	v31 =	vtrunc.f32 v31  }
0xf7: {  	v4 =	vmul.f32 v7, v8;
	v31 =	vcvt.f32.s32 v31;
	v26 =	vadd.s32 $0xFFFFFFFF, v26  }
0xf8: {  	v24 =	vadd.f32 $-2.185714240e+00, v24;
	v27 =	vmul.f32 v27, v29;
	v29 =	vmul.u32 $0x22, v26  }
0xf9: {  	v63 =	vadd.s32 $0x2AA, v5;
	v4 =	vsub.f32 $1.500000000e+00, v4;
	v7 =	vadd.s32 $0xFFFFFFFF, v31  }
0xfa: {  	v24 =	vmul.f32 v24, v46;
	v31 =	vsub.f32 $4.000000000e+00, v27;
	v29 =	vadd.s32 v7, v29  }
0xfb: {  	s23 =	simm.s32 $0x870;
	(erf) = vpow2.f32 v18;
	v4 =	vmul.f32 v4, v8;
	v61 =	vadd.s32 $0x23, v29  }
0xfc: {  	s20 =	simm.s32 $0x70;
	v50 =	vld [tilespmem:s23+$0x0];
	v27 =	vsel vm14, v31, v27;
	v7 =	vcvt.s32.f32 v7;
	v31 =	vadd.s32 $0x24, v29  }
0xfd: {  	v34 =	vld [tilespmem:s20+$0x0];
	v24 =	vadd.f32 $1.599999810e+01, v24;
	v26 =	vcvt.s32.f32 v26;
	v4 =	vmul.f32 v4, v47  }
0xfe: {  	v8 =	vsub.f32 $8.000000000e+00, v27;
	v18 =	vadd.s32 $0x45, v29;
	v7 =	vsub.f32 v11, v7  }
0xff: {  	v4 =	vmul.f32 v4, v24;
	v62 =	vadd.s32 $0x46, v29;
	v11 =	vsub.f32 v15, v26  }
0x100: {  	v8 =	vsel vm13, v8, v27;
	v15 =	vadd.f32 v28, v25;
	v24 =	vsub.f32 $1.000000000e+00, v7;
	v27 =	vld.idx.msk [tilespmem:v61+s11+$0x0], $0xffff  }
0x101: {  	v35 =	vxor.u32 $0x80000000, v50;
	v25 =	vsub.f32 $0.0e+00, v8;
	v28 =	vsub.f32 $1.000000000e+00, v11;
	v26 =	vld.idx.msk [tilespmem:v31+s11+$0x0], $0xffff  }
0x102: {  	v37 =	vand.u32 $0x7FFFFFFF, v35;
	vm4 =	vlt.f32 v35, $0.0e+00;
	v36 =	vand.u32 $0x7FFFFFFF, v34  }
0x103: {  	v15 =	vadd.f32 v15, v6;
	v6 =	vsel vm15, v25, v8;
	v8 =	vld.idx.msk [tilespmem:v18+s11+$0x0], $0xffff;
	v31 =	vmul.f32 v28, v24  }
0x104: {  	v18 =	vsub.f32 $3.200000000e+01, v4;
	v32 =	vmul.f32 v28, v7;
	v30 =	vmul.f32 v11, v24;
	v24 =	vpop (erf)  }
0x105: {  	vm5 =	vlt.f32 v34, $0.0e+00;
	v33 =	vmul.f32 v11, v7;
	v28 =	vadd.f32 $7.500000000e+00, v6;
	v25 =	vld.idx.msk [tilespmem:v62+s11+$0x0], $0xffff;
	v49 =	vpop (erf)  }
0x106: {  	v6 =	vsel vm9, v18, v4;
	[tilespmem:s30+$0xFFFFFFF0] =	vst v49;
	v18 =	vmul.f32 v31, v27;
	v26 =	vmul.f32 v32, v26  }
0x107: {  	v11 =	vmul.f32 $1.442695020e+00, v15;
	v4 =	vadd.s32 $0x4EB, v5;
	v27 =	vadd.f32 $-5.000000000e-01, v6;
	v16 =	vld.idx.msk [tilespmem:v16+s11+$0x0], $0xffff  }
0x108: {  	v48 =	vadd.f32 $1.000000000e+00, v28;
	v8 =	vmul.f32 v30, v8;
	v54 =	vld.idx.msk [tilespmem:v9+s11+$0x0], $0xffff;
	v7 =	vadd.f32 v26, v18  }
0x109: {  	(erf) = vpow2.f32 v11;
	v6 =	vadd.s32 $0x4EC, v5;
	v59 =	vld.idx.msk [tilespmem:v10+s11+$0x0], $0xffff;
	v15 =	vadd.f32 $1.000000000e+00, v27  }
0x10a: {  	v25 =	vmul.f32 v33, v25;
	v18 =	vtrunc.f32 v48;
	v26 =	vadd.f32 v7, v8  }
0x10b: {  	v8 =	vadd.s32 $0x50D, v5;
	v7 =	vadd.s32 $0x50E, v5;
	v11 =	vtrunc.f32 v15  }
0x10c: {  	v5 =	vcvt.f32.s32 v18;
	v15 =	vld [tilespmem:s23+$0xFFFFFFF0];
	v11 =	vcvt.f32.s32 v11;
	v18 =	vadd.f32 v26, v25  }
0x10d: {  	v60 =	vadd.s32 $0x287, v29;
	v16 =	vmul.f32 v2, v16;
	v40 =	vmul.f32 v1, v54;
	v26 =	vld [tilespmem:s20+$0xFFFFFFF0]  }
0x10e: {  	v56 =	vadd.s32 $0x2A9, v29;
	v44 =	vmul.f32 v3, v59;
	v18 =	vmul.f32 $1.442695020e+00, v18  }
0x10f: {  	v5 =	vadd.s32 $0xFFFFFFFF, v5;
	v25 =	vmax.f32 v36, v37;
	v11 =	vadd.s32 $0xFFFFFFFF, v11  }
0x110: {  	v38 =	vld.idx.msk [tilespmem:v63+s11+$0x0], $0xffff;
	v51 =	vmul.u32 $0x22, v5;
	v25 =	vmax.f32 v25, $1.000000000e-30;
	(erf) = vpow2.f32 v18  }
0x111: {  	v5 =	vcvt.s32.f32 v5;
	v15 =	vxor.u32 $0x80000000, v15;
	(erf) = vrcp.f32 v25  }
0x112: {  	v40 =	vadd.f32 v40, v16;
	v52 =	vand.u32 $0x7FFFFFFF, v15;
	v53 =	vand.u32 $0x7FFFFFFF, v26  }
0x113: {  	v61 =	vpop (erf);
	v18 =	vcvt.s32.f32 v11;
	v25 =	vadd.s32 v11, v51;
	v11 =	vmax.f32 v53, v52  }
0x114: {  	[tilespmem:s21+$0xFFFFFFF0] =	vst v61;
	vm10 =	vlt.f32 v15, $0.0e+00;
	v15 =	vadd.s32 $0x23, v25;
	v11 =	vmax.f32 v11, $1.000000000e-30  }
0x115: {  	v38 =	vmul.f32 v0, v38;
	v54 =	vld.idx.msk [tilespmem:v17+s11+$0x0], $0xffff;
	(erf) = vrcp.f32 v11;
	v11 =	vadd.s32 $0x24, v25  }
0x116: {  	v23 =	vld.idx.msk [tilespmem:v23+s11+$0x0], $0xffff;
	v55 =	vsub.f32 v28, v5;
	v40 =	vadd.f32 v40, v44;
	v58 =	vadd.s32 $0x45, v25  }
0x117: {  	vm13 =	vgt.f32 v36, v37;
	v62 =	vadd.s32 $0x288, v29;
	v22 =	vld.idx.msk [tilespmem:v22+s11+$0x0], $0xffff;
	vm12 =	vlt.f32 v26, $0.0e+00  }
0x118: {  	v10 =	vsub.f32 $1.000000000e+00, v55;
	v40 =	vadd.f32 v40, v38;
	v42 =	vmin.f32 v53, v52  }
0x119: {  	vm11 =	vgt.f32 v53, v52;
	v9 =	vsub.f32 v27, v18;
	v39 =	vadd.s32 $0x46, v25;
	v63 =	vld.idx.msk [tilespmem:v15+s11+$0x0], $0xffff;
	v15 =	vpop (erf)  }
0x11a: {  	s22 =	simm.s32 $0x13D0;
	v38 =	vmul.f32 v19, v54;
	v40 =	vmul.f32 $1.442695020e+00, v40;
	v57 =	vld.idx.msk [tilespmem:v11+s11+$0x0], $0xffff;
	v11 =	vmin.f32 v36, v37;
	v51 =	vpop (erf)  }
0x11b: {  	v52 =	vadd.s32 $0x2AA, v29;
	v13 =	vmul.f32 v13, v23;
	v43 =	vld.idx.msk [tilespmem:v58+s11+$0x0], $0xffff;
	[tilespmem:s22+$0x0] =	vst v15;
	v51 =	vmul.f32 v51, v11  }
0x11c: {  	v14 =	vmul.f32 v14, v22;
	v18 =	vsub.f32 $1.000000000e+00, v9;
	v5 =	vmul.f32 v55, v9;
	v45 =	vld.idx.msk [tilespmem:v60+s11+$0x0], $0xffff  }
0x11d: {  	v26 =	vadd.s32 $0x287, v25;
	v9 =	vmul.f32 v10, v9;
	v47 =	vld.idx.msk [tilespmem:v62+s11+$0x0], $0xffff;
	v53 =	vmul.f32 v51, v51  }
0x11e: {  	s23 =	simm.s32 $0x470;
	v28 =	vadd.s32 $0x288, v25;
	v10 =	vmul.f32 v10, v18;
	v11 =	vmul.f32 v55, v18;
	v49 =	vld.idx.msk [tilespmem:v56+s11+$0x0], $0xffff;
	v58 =	vpop (erf)  }
0x11f: {  	v27 =	vadd.s32 $0x2A9, v25;
	v41 =	vmul.f32 v58, v42;
	v42 =	vld [tilespmem:s23+$0x0];
	v59 =	vmul.f32 $1.947637270e-02, v53  }
0x120: {  	v16 =	vadd.s32 $0x4EC, v25;
	v52 =	vld.idx.msk [tilespmem:v52+s11+$0x0], $0xffff;
	v48 =	vmul.f32 v10, v63;
	v43 =	vmul.f32 v11, v43  }
0x121: {  	v60 =	vmul.f32 v9, v57;
	v50 =	vmul.f32 v41, v41;
	v46 =	vadd.f32 $-9.259107700e-02, v59  }
0x122: {  	v17 =	vadd.s32 $0x50D, v25;
	v45 =	vmul.f32 v31, v45;
	v47 =	vmul.f32 v32, v47  }
0x123: {  	v44 =	vadd.f32 v60, v48;
	v61 =	vmul.f32 v30, v49;
	v46 =	vmul.f32 v46, v53  }
0x124: {  	v45 =	vadd.f32 v47, v45;
	v63 =	vmul.f32 $1.947637270e-02, v50;
	v48 =	vand.u32 $0x7FFFFFFF, v42  }
0x125: {  	v52 =	vmul.f32 v33, v52;
	v62 =	vsub.f32 $1.000000000e+00, v48;
	v19 =	vadd.f32 $2.116797720e-01, v46  }
0x126: {  	v47 =	vld [tilespmem:s23+$0xFFFFFFF0];
	v60 =	vmul.f32 $2.248699960e-02, v48;
	v45 =	vadd.f32 v45, v61;
	v49 =	vadd.f32 $-9.259107700e-02, v63  }
0x127: {  	v43 =	vadd.f32 v44, v43;
	v46 =	vmax.f32 v62, $1.000000000e-30;
	v19 =	vmul.f32 v19, v53  }
0x128: {  	v54 =	vadd.f32 $-1.108194070e-01, v60;
	v45 =	vadd.f32 v45, v52;
	v49 =	vmul.f32 v49, v50  }
0x129: {  	v55 =	vshrl.u32 v46, $0x1;
	v56 =	vmul.f32 $5.000000000e-01, v46;
	v19 =	vadd.f32 $-3.424470420e-01, v19  }
0x12a: {  	v61 =	vsub.s32 $0x5F3759DF, v55;
	v54 =	vmul.f32 v54, v48;
	v62 =	vmul.f32 $1.442695020e+00, v45  }
0x12b: {  	v45 =	vand.u32 $0x7FFFFFFF, v47;
	v49 =	vadd.f32 $2.116797720e-01, v49;
	v19 =	vmul.f32 v19, v53  }
0x12c: {  	v55 =	vmul.f32 v61, v56;
	v57 =	vmul.f32 $2.248699960e-02, v45;
	v54 =	vadd.f32 $2.709229290e-01, v54  }
0x12d: {  	(erf) = vpow2.f32 v62;
	v49 =	vmul.f32 v49, v50;
	v19 =	vadd.f32 $5.060373540e-01, v19  }
0x12e: {  	v63 =	vsub.f32 $1.000000000e+00, v45;
	v55 =	vmul.f32 v61, v55;
	v54 =	vmul.f32 v54, v48  }
0x12f: {  	v57 =	vadd.f32 $-1.108194070e-01, v57;
	v49 =	vadd.f32 $-3.424470420e-01, v49;
	v19 =	vmul.f32 v19, v53  }
0x130: {  	v44 =	vmax.f32 v63, $1.000000000e-30;
	v55 =	vsub.f32 $1.500000000e+00, v55;
	v54 =	vadd.f32 $-4.954870940e-01, v54  }
0x131: {  	v59 =	vmul.f32 $5.000000000e-01, v44;
	v57 =	vmul.f32 v57, v45;
	v19 =	vadd.f32 $-8.486314410e-01, v19  }
0x132: {  	v58 =	vadd.s32 $0x4EC, v29;
	v52 =	vmul.f32 v61, v55;
	v54 =	vmul.f32 v54, v48  }
0x133: {  	v60 =	vshrl.u32 v44, $0x1;
	v49 =	vmul.f32 v49, v50;
	v19 =	vmul.f32 v19, v53  }
0x134: {  	v56 =	vmul.f32 v52, v56;
	v54 =	vadd.f32 $9.036750190e-01, v54;
	v53 =	vadd.s32 $0x4EB, v29  }
0x135: {  	v55 =	vsub.s32 $0x5F3759DF, v60;
	v60 =	vadd.s32 $0x50D, v29;
	v19 =	vadd.f32 $2.546477080e+00, v19  }
0x136: {  	s21 =	simm.s32 $0x17D0;
	v62 =	vadd.f32 $2.709229290e-01, v57;
	v56 =	vmul.f32 v56, v52;
	v61 =	vpop (erf);
	v54 =	vmul.f32 v54, v48  }
0x137: {  	v49 =	vadd.f32 $5.060373540e-01, v49;
	v29 =	vadd.s32 $0x50E, v29;
	[tilespmem:s21+$0x0] =	vst v61;
	v19 =	vmul.f32 v19, v51  }
0x138: {  	vm15 =	vlt.f32 v42, $0.0e+00;
	v56 =	vsub.f32 $1.500000000e+00, v56;
	v57 =	vld.idx.msk [tilespmem:v58+s11+$0x0], $0xffff;
	v54 =	vadd.f32 $-2.185714240e+00, v54  }
0x139: {  	v63 =	vmul.f32 v55, v59;
	v49 =	vmul.f32 v49, v50;
	v53 =	vld.idx.msk [tilespmem:v53+s11+$0x0], $0xffff;
	v61 =	vsub.f32 $4.000000000e+00, v19  }
0x13a: {  	vm14 =	vlt.f32 v47, $0.0e+00;
	v36 =	vld.idx.msk [tilespmem:v60+s11+$0x0], $0xffff;
	v52 =	vmul.f32 v56, v52;
	v48 =	vmul.f32 v54, v48  }
0x13b: {  	v39 =	vld.idx.msk [tilespmem:v39+s11+$0x0], $0xffff;
	v51 =	vmul.f32 v62, v45;
	v56 =	vmul.f32 v55, v63;
	v19 =	vsel vm13, v61, v19  }
0x13c: {  	v29 =	vld.idx.msk [tilespmem:v29+s11+$0x0], $0xffff;
	v62 =	vmul.f32 v52, v46;
	v63 =	vadd.f32 $1.599999810e+01, v48;
	v58 =	vsub.f32 $8.000000000e+00, v19  }
0x13d: {  	v54 =	vadd.f32 $-4.954870940e-01, v51;
	v60 =	vsub.f32 $1.500000000e+00, v56;
	v32 =	vmul.f32 v32, v57  }
0x13e: {  	v61 =	vmul.f32 v62, v63;
	v31 =	vmul.f32 v31, v53;
	v19 =	vsel vm4, v58, v19  }
0x13f: {  	v30 =	vmul.f32 v30, v36;
	v36 =	vadd.f32 $-8.486314410e-01, v49;
	v62 =	vsub.f32 $0.0e+00, v19  }
0x140: {  	v49 =	vmul.f32 v5, v39;
	v63 =	vsub.f32 $3.200000000e+01, v61;
	v31 =	vadd.f32 v32, v31  }
0x141: {  	v29 =	vmul.f32 v33, v29;
	v32 =	vmul.f32 v36, v50;
	v19 =	vsel vm5, v62, v19  }
0x142: {  	v42 =	vsel vm15, v63, v61;
	v46 =	vadd.f32 $7.500000000e+00, v19;
	v19 =	vadd.f32 v31, v30  }
0x143: {  	v47 =	vadd.f32 $-5.000000000e-01, v42;
	v32 =	vadd.f32 $2.546477080e+00, v32;
	v30 =	vmul.f32 v55, v60  }
0x144: {  	v31 =	vmul.f32 v54, v45;
	v48 =	vadd.f32 $1.000000000e+00, v46;
	v19 =	vadd.f32 v19, v29  }
0x145: {  	v50 =	vadd.f32 $1.000000000e+00, v47;
	v32 =	vmul.f32 v32, v41;
	v29 =	vmul.f32 v30, v59  }
0x146: {  	v31 =	vadd.f32 $9.036750190e-01, v31;
	v34 =	vtrunc.f32 v48;
	v19 =	vmul.f32 $1.442695020e+00, v19  }
0x147: {  	v36 =	vadd.f32 v43, v49;
	v37 =	vtrunc.f32 v50;
	v34 =	vcvt.f32.s32 v34  }
0x148: {  	v41 =	vsub.f32 $4.000000000e+00, v32;
	v31 =	vmul.f32 v31, v45;
	(erf) = vpow2.f32 v19  }
0x149: {  	v21 =	vld.idx.msk [tilespmem:v21+s11+$0x0], $0xffff;
	v19 =	vmul.f32 v29, v30;
	v29 =	vcvt.f32.s32 v37;
	v34 =	vadd.s32 $0xFFFFFFFF, v34  }
0x14a: {  	v36 =	vmul.f32 $1.442695020e+00, v36;
	v32 =	vsel vm11, v41, v32;
	v51 =	vmul.u32 $0x22, v34  }
0x14b: {  	v31 =	vadd.f32 $-2.185714240e+00, v31;
	v52 =	vsub.f32 $1.500000000e+00, v19;
	v29 =	vadd.s32 $0xFFFFFFFF, v29  }
0x14c: {  	v54 =	vsub.f32 $8.000000000e+00, v32;
	(erf) = vpow2.f32 v36;
	v19 =	vadd.s32 v29, v51  }
0x14d: {  	v31 =	vmul.f32 v31, v45;
	v30 =	vmul.f32 v52, v30;
	v37 =	vadd.s32 $0x23, v19  }
0x14e: {  	v12 =	vmul.f32 v12, v21;
	v22 =	vsel vm10, v54, v32;
	v53 =	vadd.s32 $0x24, v19  }
0x14f: {  	v23 =	vcvt.s32.f32 v29;
	v31 =	vadd.f32 $1.599999810e+01, v31;
	v30 =	vmul.f32 v30, v44  }
0x150: {  	v56 =	vsub.f32 $0.0e+00, v22;
	v29 =	vcvt.s32.f32 v34;
	v55 =	vadd.s32 $0x45, v19  }
0x151: {  	(erf) = vpow2.f32 v40;
	v57 =	vadd.s32 $0x46, v19;
	v31 =	vmul.f32 v30, v31  }
0x152: {  	v22 =	vsel vm12, v56, v22;
	v32 =	vsub.f32 v46, v29;
	v30 =	vsub.f32 v47, v23;
	v37 =	vld.idx.msk [tilespmem:v37+s11+$0x0], $0xffff  }
0x153: {  	v13 =	vadd.f32 v13, v38;
	v15 =	vadd.s32 $0x4EB, v25;
	v23 =	vld.idx.msk [tilespmem:v53+s11+$0x0], $0xffff;
	v58 =	vsub.f32 $3.200000000e+01, v31  }
0x154: {  	v18 =	vadd.s32 $0x2AA, v25;
	v61 =	vsub.f32 $1.000000000e+00, v32;
	v59 =	vpop (erf);
	v60 =	vsub.f32 $1.000000000e+00, v30  }
0x155: {  	v62 =	vadd.f32 v13, v14;
	v29 =	vadd.f32 $7.500000000e+00, v22;
	v35 =	vld.idx.msk [tilespmem:v55+s11+$0x0], $0xffff;
	v22 =	vpop (erf);
	v21 =	vsel vm14, v58, v31  }
0x156: {  	s24 =	simm.s32 $0x1B90;
	v36 =	vld.idx.msk [tilespmem:v57+s11+$0x0], $0xffff;
	[tilespmem:s22+$0xFFFFFFF0] =	vst v22;
	v14 =	vmul.f32 v61, v60;
	v31 =	vadd.f32 $-5.000000000e-01, v21;
	v21 =	vmul.f32 v61, v30  }
0x157: {  	s25 =	simm.s32 $0x1BB0;
	[tilespmem:s24+$0x0] =	vst v20;
	v63 =	vadd.f32 v62, v12;
	v20 =	vadd.f32 $1.000000000e+00, v29;
	v13 =	vmul.f32 v32, v60;
	v22 =	vld.idx.msk [tilespmem:v26+s11+$0x0], $0xffff  }
0x158: {  	s26 =	simm.s32 $0x1BD0;
	[tilespmem:s25+$0x0] =	vst v24;
	v12 =	vadd.s32 $0x50E, v25;
	v33 =	vld.idx.msk [tilespmem:v28+s11+$0x0], $0xffff;
	v26 =	vmul.f32 v14, v37;
	v37 =	vmul.f32 v21, v23  }
0x159: {  	s28 =	simm.s32 $0x6;
	s29 =	simm.s32 $0x890;
	[tilespmem:s26+$0x0] =	vst v59;
	v24 =	vtrunc.f32 v20;
	v20 =	vmul.f32 $1.442695020e+00, v63;
	v34 =	vld.idx.msk [tilespmem:v27+s11+$0x0], $0xffff;
	v25 =	vadd.f32 $1.000000000e+00, v31  }
.LBB2_2:
0x15a: {  	v23 =	vld [tilespmem:s29+$0x0];
	v28 =	vmul.f32 v32, v30;
	v26 =	vadd.f32 v37, v26;
	v27 =	vmul.f32 v13, v35;
	s20 =	sadd.s32 $0x20, s20  }
0x15b: {  	v25 =	vtrunc.f32 v25;
	v24 =	vcvt.f32.s32 v24;
	v30 =	vld [tilespmem:s20+$0x0];
	v32 =	vpop (erf)  }
0x15c: {  	v25 =	vcvt.f32.s32 v25;
	v37 =	vld [tilespmem:s29+$0xFFFFFFF0];
	v26 =	vadd.f32 v26, v27;
	v27 =	vmul.f32 v28, v36;
	[tilespmem:s19+$0xFFFFFFF0] =	vst v32;
	s19 =	smov.u32 s21  }
0x15d: {  	s28 =	sadd.s32 $0x2, s28;
	v24 =	vadd.s32 $0xFFFFFFFF, v24;
	v39 =	vmul.f32 v10, v22;
	v38 =	vld [tilespmem:s20+$0xFFFFFFF0];
	(erf) = vpow2.f32 v20  }
0x15e: {  	p0 =	slt.u32 s28, $0x3E;
	v20 =	vadd.s32 $0xFFFFFFFF, v25;
	v22 =	vmul.u32 $0x22, v24;
	v25 =	vadd.f32 v26, v27;
	v40 =	vld.idx.msk [tilespmem:v18+s11+$0x0], $0xffff  }
0x15f: {  	v18 =	vcvt.s32.f32 v20;
	v32 =	vxor.u32 $0x80000000, v23;
	v23 =	vcvt.s32.f32 v24;
	v41 =	vld.idx.msk [tilespmem:v4+s11+$0x0], $0xffff;
	v4 =	vmovc v15  }
0x160: {  	v35 =	vand.u32 $0x7FFFFFFF, v30;
	v36 =	vand.u32 $0x7FFFFFFF, v32;
	v15 =	vmul.f32 $1.442695020e+00, v25;
	v25 =	vld.idx.msk [tilespmem:v6+s11+$0x0], $0xffff;
	v6 =	vmovc v16  }
0x161: {  	v42 =	vadd.s32 v20, v22;
	v16 =	vxor.u32 $0x80000000, v37;
	v24 =	vmax.f32 v35, v36;
	v26 =	vld.idx.msk [tilespmem:v8+s11+$0x0], $0xffff;
	v8 =	vmovc v17  }
0x162: {  	v17 =	vand.u32 $0x7FFFFFFF, v16;
	v22 =	vmax.f32 v24, $1.000000000e-30;
	(erf) = vpow2.f32 v15;
	v20 =	vld.idx.msk [tilespmem:v7+s11+$0x0], $0xffff;
	v7 =	vmovc v12  }
0x163: {  	v12 =	vand.u32 $0x7FFFFFFF, v38;
	vm1 =	vlt.f32 v16, $0.0e+00;
	(erf) = vrcp.f32 v22  }
0x164: {  	v15 =	vmax.f32 v12, v17;
	v37 =	vmin.f32 v12, v17;
	vm2 =	vgt.f32 v12, v17  }
0x165: {  	vm0 =	vlt.f32 v38, $0.0e+00;
	v12 =	vmax.f32 v15, $1.000000000e-30;
	v15 =	vadd.s32 $0x23, v42  }
0x166: {  	v16 =	vadd.s32 $0x24, v42;
	(erf) = vrcp.f32 v12;
	v12 =	vsub.f32 v29, v23;
	v17 =	vpop (erf)  }
0x167: {  	v18 =	vsub.f32 v31, v18;
	v43 =	vadd.s32 $0x46, v42;
	v38 =	vadd.s32 $0x45, v42;
	[tilespmem:s24+$0xFFFFFFF0] =	vst v17;
	s24 =	smov.u32 s25;
	s25 =	smov.u32 s26  }
0x168: {  	v44 =	vadd.s32 $0x287, v19;
	v22 =	vadd.s32 $0x287, v42;
	v17 =	vsub.f32 $1.000000000e+00, v12  }
0x169: {  	v45 =	vadd.s32 $0x288, v19;
	v29 =	vsub.f32 $1.000000000e+00, v18;
	v27 =	vmul.f32 v12, v18  }
0x16a: {  	v24 =	vadd.s32 $0x288, v42;
	v23 =	vadd.s32 $0x2A9, v42;
	v31 =	vmul.f32 v17, v18;
	v46 =	vld.idx.msk [tilespmem:v15+s11+$0x0], $0xffff  }
0x16b: {  	v48 =	vadd.s32 $0x2A9, v19;
	s22 =	sadd.s32 $0x20, s22;
	v47 =	vmul.f32 v17, v29;
	v29 =	vmul.f32 v12, v29;
	v12 =	vld.idx.msk [tilespmem:v16+s11+$0x0], $0xffff;
	v15 =	vpop (erf)  }
0x16c: {  	v33 =	vmul.f32 v9, v33;
	v18 =	vadd.s32 $0x2AA, v42;
	v16 =	vmin.f32 v35, v36;
	v17 =	vpop (erf);
	v49 =	vld.idx.msk [tilespmem:v38+s11+$0x0], $0xffff;
	[tilespmem:s22+$0x0] =	vst v15  }
0x16d: {  	v51 =	vadd.s32 $0x2AA, v19;
	v34 =	vmul.f32 v11, v34;
	v50 =	vmul.f32 v17, v16;
	v44 =	vld.idx.msk [tilespmem:v44+s11+$0x0], $0xffff  }
0x16e: {  	v33 =	vadd.f32 v33, v39;
	v40 =	vmul.f32 v5, v40;
	v15 =	vadd.s32 $0x4EB, v42;
	v45 =	vld.idx.msk [tilespmem:v45+s11+$0x0], $0xffff  }
0x16f: {  	v16 =	vadd.s32 $0x4EC, v42;
	v17 =	vadd.s32 $0x50D, v42;
	v52 =	vmul.f32 v50, v50;
	v39 =	vpop (erf);
	v38 =	vld.idx.msk [tilespmem:v43+s11+$0x0], $0xffff  }
0x170: {  	s23 =	sadd.s32 $0x20, s23;
	v33 =	vadd.f32 v33, v34;
	v46 =	vmul.f32 v47, v46;
	v37 =	vmul.f32 v39, v37;
	v48 =	vld.idx.msk [tilespmem:v48+s11+$0x0], $0xffff  }
0x171: {  	v54 =	vmul.f32 v31, v12;
	v12 =	vadd.s32 $0x50E, v42;
	v43 =	vld [tilespmem:s23+$0x0];
	v53 =	vmul.f32 $1.947637270e-02, v52  }
0x172: {  	v34 =	vadd.f32 v33, v40;
	v42 =	vmul.f32 v29, v49;
	v39 =	vmul.f32 v37, v37;
	v49 =	vld.idx.msk [tilespmem:v51+s11+$0x0], $0xffff  }
0x173: {  	v33 =	vmul.f32 v2, v41;
	v2 =	vmovc v10;
	v10 =	vmovc v47;
	v46 =	vadd.f32 v54, v46;
	v51 =	vld [tilespmem:s23+$0xFFFFFFF0];
	v40 =	vadd.f32 $-9.259107700e-02, v53  }
0x174: {  	v41 =	vmul.f32 v14, v44;
	v44 =	vmul.f32 v21, v45  }
0x175: {  	v45 =	vmul.f32 $1.947637270e-02, v39;
	v47 =	vmul.f32 v40, v52;
	v40 =	vadd.f32 v46, v42  }
0x176: {  	v41 =	vadd.f32 v44, v41;
	v42 =	vmul.f32 v13, v48;
	v46 =	vand.u32 $0x7FFFFFFF, v43  }
0x177: {  	v44 =	vadd.f32 $2.116797720e-01, v47;
	v47 =	vsub.f32 $1.000000000e+00, v46;
	v48 =	vmul.f32 $2.248699960e-02, v46  }
0x178: {  	v45 =	vadd.f32 $-9.259107700e-02, v45;
	v41 =	vadd.f32 v41, v42;
	v42 =	vmul.f32 v28, v49  }
0x179: {  	v44 =	vmul.f32 v44, v52;
	v47 =	vmax.f32 v47, $1.000000000e-30;
	v48 =	vadd.f32 $-1.108194070e-01, v48  }
0x17a: {  	v42 =	vadd.f32 v41, v42;
	v49 =	vshrl.u32 v47, $0x1;
	v53 =	vmul.f32 $5.000000000e-01, v47  }
0x17b: {  	v44 =	vadd.f32 $-3.424470420e-01, v44;
	v49 =	vsub.s32 $0x5F3759DF, v49;
	v48 =	vmul.f32 v48, v46  }
0x17c: {  	v41 =	vand.u32 $0x7FFFFFFF, v51;
	v42 =	vmul.f32 $1.442695020e+00, v42;
	v54 =	vmul.f32 v49, v53  }
0x17d: {  	v45 =	vmul.f32 v45, v39;
	v44 =	vmul.f32 v44, v52;
	v48 =	vadd.f32 $2.709229290e-01, v48  }
0x17e: {  	v55 =	vsub.f32 $1.000000000e+00, v41;
	v54 =	vmul.f32 v49, v54;
	(erf) = vpow2.f32 v42  }
0x17f: {  	v45 =	vadd.f32 $2.116797720e-01, v45;
	v44 =	vadd.f32 $5.060373540e-01, v44;
	v48 =	vmul.f32 v48, v46  }
0x180: {  	v42 =	vmax.f32 v55, $1.000000000e-30;
	v55 =	vmul.f32 $2.248699960e-02, v41;
	v54 =	vsub.f32 $1.500000000e+00, v54  }
0x181: {  	v45 =	vmul.f32 v45, v39;
	v44 =	vmul.f32 v44, v52;
	v48 =	vadd.f32 $-4.954870940e-01, v48  }
0x182: {  	v56 =	vshrl.u32 v42, $0x1;
	v55 =	vadd.f32 $-1.108194070e-01, v55;
	v49 =	vmul.f32 v49, v54  }
0x183: {  	v45 =	vadd.f32 $-3.424470420e-01, v45;
	v44 =	vadd.f32 $-8.486314410e-01, v44;
	v48 =	vmul.f32 v48, v46  }
0x184: {  	v54 =	vmul.f32 v55, v41;
	v55 =	vadd.s32 $0x4EB, v19;
	v53 =	vmul.f32 v49, v53  }
0x185: {  	v44 =	vmul.f32 v44, v52;
	v48 =	vadd.f32 $9.036750190e-01, v48;
	v52 =	vadd.s32 $0x4EC, v19  }
0x186: {  	v57 =	vmul.f32 $5.000000000e-01, v42;
	v56 =	vsub.s32 $0x5F3759DF, v56;
	v53 =	vmul.f32 v53, v49  }
0x187: {  	v58 =	vadd.s32 $0x50D, v19;
	s21 =	sadd.s32 $0x20, s21;
	v44 =	vadd.f32 $2.546477080e+00, v44;
	v48 =	vmul.f32 v48, v46;
	v59 =	vpop (erf)  }
0x188: {  	v45 =	vmul.f32 v45, v39;
	v54 =	vadd.f32 $2.709229290e-01, v54;
	v53 =	vsub.f32 $1.500000000e+00, v53;
	[tilespmem:s21+$0x0] =	vst v59  }
0x189: {  	v19 =	vadd.s32 $0x50E, v19;
	v44 =	vmul.f32 v44, v50;
	v48 =	vadd.f32 $-2.185714240e+00, v48;
	v50 =	vld.idx.msk [tilespmem:v55+s11+$0x0], $0xffff  }
0x18a: {  	v45 =	vadd.f32 $5.060373540e-01, v45;
	v54 =	vmul.f32 v54, v41;
	v55 =	vmul.f32 v56, v57;
	v52 =	vld.idx.msk [tilespmem:v52+s11+$0x0], $0xffff  }
0x18b: {  	v49 =	vmul.f32 v53, v49;
	v59 =	vsub.f32 $4.000000000e+00, v44;
	v46 =	vmul.f32 v48, v46  }
0x18c: {  	vm3 =	vgt.f32 v35, v36;
	v45 =	vmul.f32 v45, v39;
	v48 =	vmul.f32 v56, v55;
	v35 =	vld.idx.msk [tilespmem:v58+s11+$0x0], $0xffff  }
0x18d: {  	v36 =	vsel vm3, v59, v44;
	v44 =	vmul.f32 v49, v47;
	v46 =	vadd.f32 $1.599999810e+01, v46  }
0x18e: {  	v47 =	vadd.f32 $-4.954870940e-01, v54;
	vm3 =	vlt.f32 v51, $0.0e+00;
	v49 =	vsub.f32 $8.000000000e+00, v36;
	v19 =	vld.idx.msk [tilespmem:v19+s11+$0x0], $0xffff  }
0x18f: {  	vm4 =	vlt.f32 v32, $0.0e+00;
	v48 =	vsub.f32 $1.500000000e+00, v48;
	v32 =	vmul.f32 v44, v46  }
0x190: {  	v14 =	vmul.f32 v14, v50;
	v21 =	vmul.f32 v21, v52;
	v36 =	vsel vm4, v49, v36  }
0x191: {  	vm4 =	vlt.f32 v43, $0.0e+00;
	v44 =	vsub.f32 $0.0e+00, v36;
	v43 =	vsub.f32 $3.200000000e+01, v32  }
0x192: {  	vm5 =	vlt.f32 v30, $0.0e+00;
	v14 =	vadd.f32 v21, v14;
	v13 =	vmul.f32 v13, v35  }
0x193: {  	v21 =	vadd.f32 $-8.486314410e-01, v45;
	v30 =	vsel vm5, v44, v36;
	v32 =	vsel vm4, v43, v32  }
0x194: {  	v13 =	vadd.f32 v14, v13;
	v14 =	vmul.f32 v28, v19;
	v35 =	vadd.f32 $7.500000000e+00, v30  }
0x195: {  	v28 =	vmul.f32 v56, v48;
	v19 =	vmul.f32 v47, v41;
	v30 =	vadd.f32 $-5.000000000e-01, v32  }
0x196: {  	v21 =	vmul.f32 v21, v39;
	v13 =	vadd.f32 v13, v14;
	v32 =	vadd.f32 $1.000000000e+00, v35  }
0x197: {  	v36 =	vmul.f32 v27, v38;
	v14 =	vmul.f32 v28, v57;
	v19 =	vadd.f32 $9.036750190e-01, v19  }
0x198: {  	v38 =	vadd.f32 $1.000000000e+00, v30;
	v13 =	vmul.f32 $1.442695020e+00, v13;
	v32 =	vtrunc.f32 v32  }
0x199: {  	v21 =	vadd.f32 $2.546477080e+00, v21;
	v19 =	vmul.f32 v19, v41;
	v32 =	vcvt.f32.s32 v32  }
0x19a: {  	v36 =	vadd.f32 v40, v36;
	v38 =	vtrunc.f32 v38;
	(erf) = vpow2.f32 v13  }
0x19b: {  	v13 =	vmul.f32 v14, v28;
	v14 =	vcvt.f32.s32 v38;
	v32 =	vadd.s32 $0xFFFFFFFF, v32  }
0x19c: {  	v21 =	vmul.f32 v21, v37;
	v19 =	vadd.f32 $-2.185714240e+00, v19;
	v37 =	vmul.u32 $0x22, v32  }
0x19d: {  	v36 =	vmul.f32 $1.442695020e+00, v36;
	v13 =	vsub.f32 $1.500000000e+00, v13;
	v14 =	vadd.s32 $0xFFFFFFFF, v14  }
0x19e: {  	v38 =	vsub.f32 $4.000000000e+00, v21;
	v39 =	vmul.f32 v19, v41;
	v19 =	vadd.s32 v14, v37  }
0x19f: {  	v13 =	vmul.f32 v13, v28;
	v28 =	vadd.s32 $0x23, v19;
	(erf) = vpow2.f32 v36  }
0x1a0: {  	v21 =	vsel vm2, v38, v21;
	v36 =	vadd.f32 $1.599999810e+01, v39;
	v37 =	vadd.s32 $0x24, v19  }
0x1a1: {  	v34 =	vmul.f32 $1.442695020e+00, v34;
	v38 =	vsub.f32 $8.000000000e+00, v21;
	v13 =	vmul.f32 v13, v42  }
0x1a2: {  	v25 =	vmul.f32 v1, v25;
	v1 =	vmovc v9;
	v26 =	vmul.f32 v3, v26;
	v9 =	vmovc v31;
	v39 =	vadd.s32 $0x45, v19  }
0x1a3: {  	s26 =	sadd.s32 $0x20, s26;
	v31 =	vcvt.s32.f32 v32;
	v14 =	vcvt.s32.f32 v14;
	v21 =	vsel vm1, v38, v21;
	v3 =	vpop (erf)  }
0x1a4: {  	v38 =	vsub.f32 $0.0e+00, v21;
	v13 =	vmul.f32 v13, v36;
	v36 =	vadd.s32 $0x46, v19;
	v28 =	vld.idx.msk [tilespmem:v28+s11+$0x0], $0xffff;
	[tilespmem:s26+$0x0] =	vst v3;
	v3 =	vmovc v11  }
0x1a5: {  	v32 =	vsub.f32 v35, v31;
	v30 =	vsub.f32 v30, v14;
	v11 =	vmovc v29;
	v37 =	vld.idx.msk [tilespmem:v37+s11+$0x0], $0xffff;
	(erf) = vpow2.f32 v34  }
0x1a6: {  	v25 =	vadd.f32 v25, v33;
	v14 =	vsel vm0, v38, v21;
	v21 =	vsub.f32 $3.200000000e+01, v13  }
0x1a7: {  	v20 =	vmul.f32 v0, v20;
	v0 =	vmovc v5;
	v5 =	vmovc v27;
	v33 =	vsub.f32 $1.000000000e+00, v30;
	v34 =	vsub.f32 $1.000000000e+00, v32;
	v35 =	vld.idx.msk [tilespmem:v39+s11+$0x0], $0xffff  }
.Ltmp0:
0x1a8: {  	v25 =	vadd.f32 v25, v26;
	v29 =	vadd.f32 $7.500000000e+00, v14;
	v13 =	vsel vm3, v21, v13;
	v27 =	vpop (erf);
	(pc) =	sbr.rel @p0 .LBB2_2-.Ltmp0, $4  }
0x1a9: {  	v31 =	vadd.f32 $-5.000000000e-01, v13;
	v14 =	vmul.f32 v34, v33;
	v21 =	vmul.f32 v34, v30;
	v36 =	vld.idx.msk [tilespmem:v36+s11+$0x0], $0xffff;
	[tilespmem:s22+$0xFFFFFFF0] =	vst v27  }
0x1aa: {  	v20 =	vadd.f32 v25, v20;
	v13 =	vmul.f32 v32, v33;
	v27 =	vadd.f32 $1.000000000e+00, v29;
	v22 =	vld.idx.msk [tilespmem:v22+s11+$0x0], $0xffff  }
0x1ab: {  	v25 =	vadd.f32 $1.000000000e+00, v31;
	v26 =	vmul.f32 v14, v28;
	v37 =	vmul.f32 v21, v37;
	v33 =	vld.idx.msk [tilespmem:v24+s11+$0x0], $0xffff  }
0x1ac: {  	s29 =	sadd.s32 $0x20, s29;
	v20 =	vmul.f32 $1.442695020e+00, v20;
	v24 =	vtrunc.f32 v27;
	v34 =	vld.idx.msk [tilespmem:v23+s11+$0x0], $0xffff  }
0x1ad: {  	v23 =	vmul.f32 v32, v30;
	v26 =	vadd.f32 v37, v26;
	v27 =	vmul.f32 v13, v35;
	_ =	sdelay $0x1  }
0x1ae: {  	v26 =	vadd.f32 v26, v27;
	v55 =	vmul.f32 v23, v36;
	_ =	sdelay $0x1  }
0x1af: {  	v26 =	vadd.f32 v26, v55;
	_ =	sdelay $0x1  }
0x1b0: {  	v26 =	vmul.f32 $1.442695020e+00, v26  }
0x1b1: {  	(erf) = vpow2.f32 v20  }
0x1b2: {  	(erf) = vpow2.f32 v26;
	_ =	sdelay $0x5  }
0x1b3: {  	v56 =	vadd.s32 $0x287, v19  }
0x1b4: {  	v28 =	vadd.s32 $0x288, v19;
	v27 =	vpop (erf)  }
0x1b5: {  	v20 =	vpop (erf)  }
0x1b6: {  	v57 =	vadd.s32 $0x2A9, v19;
	s22 =	sadd.s32 $0x20, s22;
	v58 =	vpop (erf)  }
0x1b7: {  	[tilespmem:s22+$0x0] =	vst v58  }
0x1b8: {  	v59 =	vadd.s32 $0x2AA, v19;
	v26 =	vld.idx.msk [tilespmem:v56+s11+$0x0], $0xffff  }
0x1b9: {  	v28 =	vld.idx.msk [tilespmem:v28+s11+$0x0], $0xffff;
	_ =	sdelay $0x1  }
0x1ba: {  	v30 =	vld.idx.msk [tilespmem:v57+s11+$0x0], $0xffff;
	_ =	sdelay $0x1  }
0x1bb: {  	v32 =	vld.idx.msk [tilespmem:v59+s11+$0x0], $0xffff  }
0x1bc: {  	v26 =	vmul.f32 v14, v26;
	v28 =	vmul.f32 v21, v28;
	_ =	sdelay $0x1  }
0x1bd: {  	v60 =	vmul.f32 v13, v30;
	v26 =	vadd.f32 v28, v26;
	_ =	sdelay $0x1  }
0x1be: {  	v61 =	vmul.f32 v23, v32;
	v26 =	vadd.f32 v26, v60;
	_ =	sdelay $0x1  }
0x1bf: {  	v26 =	vadd.f32 v26, v61;
	_ =	sdelay $0x1  }
0x1c0: {  	v26 =	vmul.f32 $1.442695020e+00, v26  }
0x1c1: {  	v24 =	vcvt.f32.s32 v24  }
0x1c2: {  	v25 =	vtrunc.f32 v25;
	(erf) = vpow2.f32 v26  }
0x1c3: {  	v25 =	vcvt.f32.s32 v25;
	v24 =	vadd.s32 $0xFFFFFFFF, v24  }
0x1c4: {  	v62 =	vmul.u32 $0x22, v24  }
0x1c5: {  	v25 =	vadd.s32 $0xFFFFFFFF, v25  }
0x1c6: {  	v26 =	vadd.s32 v25, v62  }
0x1c7: {  	v63 =	vadd.s32 $0x23, v26  }
0x1c8: {  	v40 =	vadd.s32 $0x4EB, v19  }
0x1c9: {  	v41 =	vadd.s32 $0x4EC, v19  }
0x1ca: {  	v42 =	vadd.s32 $0x24, v26  }
0x1cb: {  	v43 =	vadd.s32 $0x50D, v19;
	s20 =	sadd.s32 $0x20, s21;
	v24 =	vcvt.s32.f32 v24;
	v44 =	vpop (erf)  }
0x1cc: {  	v25 =	vcvt.s32.f32 v25;
	v38 =	vadd.s32 $0x45, v26;
	v28 =	vld.idx.msk [tilespmem:v63+s11+$0x0], $0xffff;
	[tilespmem:s20+$0x0] =	vst v44  }
0x1cd: {  	v46 =	vadd.s32 $0x50E, v19;
	v24 =	vsub.f32 v29, v24;
	v45 =	vld.idx.msk [tilespmem:v40+s11+$0x0], $0xffff  }
0x1ce: {  	v47 =	vadd.s32 $0x46, v26;
	v25 =	vsub.f32 v31, v25;
	v48 =	vld.idx.msk [tilespmem:v41+s11+$0x0], $0xffff  }
0x1cf: {  	v49 =	vsub.f32 $1.000000000e+00, v24;
	v35 =	vld.idx.msk [tilespmem:v42+s11+$0x0], $0xffff  }
0x1d0: {  	v50 =	vsub.f32 $1.000000000e+00, v25;
	v36 =	vld.idx.msk [tilespmem:v43+s11+$0x0], $0xffff  }
0x1d1: {  	v39 =	vmul.f32 v49, v25;
	v38 =	vld.idx.msk [tilespmem:v38+s11+$0x0], $0xffff  }
0x1d2: {  	v32 =	vmul.f32 v49, v50;
	v37 =	vmul.f32 v24, v50;
	v19 =	vld.idx.msk [tilespmem:v46+s11+$0x0], $0xffff  }
0x1d3: {  	v30 =	vld.idx.msk [tilespmem:v47+s11+$0x0], $0xffff;
	v51 =	vmul.f32 v14, v45;
	v52 =	vmul.f32 v21, v48  }
0x1d4: {  	v28 =	vmul.f32 v32, v28;
	v53 =	vmul.f32 v39, v35  }
0x1d5: {  	v54 =	vmul.f32 v13, v36;
	v14 =	vadd.f32 v52, v51  }
0x1d6: {  	v55 =	vmul.f32 v37, v38;
	v56 =	vadd.f32 v53, v28;
	v21 =	vmul.f32 v24, v25  }
0x1d7: {  	v57 =	vmul.f32 v23, v19;
	v13 =	vadd.f32 v14, v54  }
0x1d8: {  	v58 =	vadd.f32 v56, v55;
	v59 =	vmul.f32 v21, v30  }
0x1d9: {  	v13 =	vadd.f32 v13, v57  }
0x1da: {  	v60 =	vadd.f32 v58, v59  }
0x1db: {  	v13 =	vmul.f32 $1.442695020e+00, v13  }
0x1dc: {  	v14 =	vmul.f32 $1.442695020e+00, v60  }
0x1dd: {  	(erf) = vpow2.f32 v13  }
0x1de: {  	(erf) = vpow2.f32 v14;
	_ =	sdelay $0x5  }
0x1df: {  	v61 =	vadd.s32 $0x287, v26  }
0x1e0: {  	v62 =	vadd.s32 $0x288, v26  }
0x1e1: {  	v18 =	vld.idx.msk [tilespmem:v18+s11+$0x0], $0xffff;
	[tilespmem:s19+$0xFFFFFFF0] =	vst v27;
	v63 =	vpop (erf)  }
0x1e2: {  	v4 =	vld.idx.msk [tilespmem:v4+s11+$0x0], $0xffff;
	v30 =	vadd.s32 $0x2A9, v26;
	v31 =	vpop (erf)  }
0x1e3: {  	v6 =	vld.idx.msk [tilespmem:v6+s11+$0x0], $0xffff;
	[tilespmem:s22+$0xFFFFFFF0] =	vst v31  }
0x1e4: {  	v35 =	vadd.s32 $0x2AA, v26;
	v13 =	vld.idx.msk [tilespmem:v61+s11+$0x0], $0xffff  }
0x1e5: {  	v14 =	vld.idx.msk [tilespmem:v62+s11+$0x0], $0xffff  }
0x1e6: {  	v8 =	vld.idx.msk [tilespmem:v8+s11+$0x0], $0xffff  }
0x1e7: {  	v22 =	vmul.f32 v10, v22;
	v23 =	vld.idx.msk [tilespmem:v30+s11+$0x0], $0xffff  }
0x1e8: {  	v7 =	vld.idx.msk [tilespmem:v7+s11+$0x0], $0xffff;
	v2 =	vmul.f32 v2, v4;
	v36 =	vmul.f32 v9, v33  }
0x1e9: {  	v1 =	vmul.f32 v1, v6;
	v38 =	vmul.f32 v11, v34;
	v40 =	vld.idx.msk [tilespmem:v35+s11+$0x0], $0xffff  }
0x1ea: {  	v41 =	vadd.f32 v36, v22;
	v13 =	vmul.f32 v32, v13;
	v14 =	vmul.f32 v39, v14  }
0x1eb: {  	v18 =	vmul.f32 v5, v18;
	v3 =	vmul.f32 v3, v8;
	v1 =	vadd.f32 v1, v2  }
0x1ec: {  	v42 =	vadd.f32 v41, v38;
	v43 =	vmul.f32 v37, v23;
	v44 =	vadd.f32 v14, v13  }
0x1ed: {  	v0 =	vmul.f32 v0, v7;
	v1 =	vadd.f32 v1, v3  }
0x1ee: {  	v2 =	vadd.f32 v42, v18;
	v45 =	vmul.f32 v21, v40;
	v46 =	vadd.f32 v44, v43  }
0x1ef: {  	v0 =	vadd.f32 v1, v0  }
0x1f0: {  	v47 =	vmul.f32 $1.442695020e+00, v2;
	v48 =	vadd.f32 v46, v45  }
0x1f1: {  	v0 =	vmul.f32 $1.442695020e+00, v0  }
0x1f2: {  	(erf) = vpow2.f32 v47;
	v49 =	vmul.f32 $1.442695020e+00, v48  }
0x1f3: {  	(erf) = vpow2.f32 v0  }
0x1f4: {  	(erf) = vpow2.f32 v49;
	_ =	sdelay $0x5  }
0x1f5: {  	v50 =	vadd.s32 $0x4EB, v26  }
0x1f6: {  	v52 =	vadd.s32 $0x4EC, v26;
	v51 =	vpop (erf)  }
0x1f7: {  	[tilespmem:s21+$0xFFFFFFF0] =	vst v51;
	v53 =	vpop (erf)  }
0x1f8: {  	v54 =	vadd.s32 $0x50D, v26;
	v55 =	vld.idx.msk [tilespmem:v15+s11+$0x0], $0xffff;
	v56 =	vpop (erf)  }
0x1f9: {  	v57 =	vld.idx.msk [tilespmem:v16+s11+$0x0], $0xffff;
	[tilespmem:s20+$0xFFFFFFF0] =	vst v56  }
0x1fa: {  	v58 =	vadd.s32 $0x50E, v26;
	v0 =	vld.idx.msk [tilespmem:v50+s11+$0x0], $0xffff  }
0x1fb: {  	v2 =	vld.idx.msk [tilespmem:v52+s11+$0x0], $0xffff  }
0x1fc: {  	v59 =	vld.idx.msk [tilespmem:v17+s11+$0x0], $0xffff  }
0x1fd: {  	v3 =	vld.idx.msk [tilespmem:v54+s11+$0x0], $0xffff  }
0x1fe: {  	v12 =	vld.idx.msk [tilespmem:v12+s11+$0x0], $0xffff  }
0x1ff: {  	v4 =	vmul.f32 v10, v55;
	v7 =	vmul.f32 v9, v57;
	v6 =	vld.idx.msk [tilespmem:v58+s11+$0x0], $0xffff  }
0x200: {  	v0 =	vmul.f32 v32, v0;
	v2 =	vmul.f32 v39, v2  }
0x201: {  	v8 =	vmul.f32 v11, v59;
	v4 =	vadd.f32 v7, v4  }
0x202: {  	v3 =	vmul.f32 v37, v3;
	v0 =	vadd.f32 v2, v0  }
0x203: {  	v60 =	vmul.f32 v5, v12;
	v4 =	vadd.f32 v4, v8  }
0x204: {  	v61 =	vmul.f32 v21, v6;
	v0 =	vadd.f32 v0, v3  }
0x205: {  	v2 =	vadd.f32 v4, v60  }
0x206: {  	v0 =	vadd.f32 v0, v61  }
0x207: {  	v2 =	vmul.f32 $1.442695020e+00, v2  }
0x208: {  	v0 =	vmul.f32 $1.442695020e+00, v0  }
0x209: {  	(erf) = vpow2.f32 v2  }
0x20a: {  	(erf) = vpow2.f32 v0;
	_ =	sdelay $0x5  }
0x20b: {  	s31 =	sadd.s32 $0x20, s26;
	[tilespmem:s24+$0xFFFFFFF0] =	vst v20  }
0x20c: {  	[tilespmem:s31+$0x0] =	vst v63  }
0x20d: {  	[tilespmem:s25+$0xFFFFFFF0] =	vst v53;
	v62 =	vpop (erf)  }
0x20e: {  	[tilespmem:s26+$0xFFFFFFF0] =	vst v62;
	v63 =	vpop (erf)  }
0x20f: {  	[tilespmem:s31+$0xFFFFFFF0] =	vst v63  }
0x210: {  	[hbm4b:s7+s2] =	stream.linear.scatter [tilespmem:s15], [sflag:$0x1], $0x400, $0x38;
	[tilespmem:$0x1F80] =	vst v63  }
0x211: {  	_ = 	snop  }
0x212: {  	[hbm4b:s8+s2] =	stream.linear.scatter [tilespmem:s16], [sflag:$0x1], $0x400, $0x38;
	[tilespmem:$0x1F80] =	vst v63  }
0x213: {  	_ = 	snop  }
0x214: {  	[hbm4b:s9+s2] =	stream.linear.scatter [tilespmem:s17], [sflag:$0x1], $0x400, $0x38;
	[tilespmem:$0x1F80] =	vst v63  }
0x215: {  	_ =	swait.ge [sflag:s14], $0x400  }
0x216: {  	[sflag:s14] =	ssyncset.done $0x0  }
0x217: {  	s18 =	sadd.s32 $0x1, s18;
	[sflag:s14] =	ssyncadd.s32 $0xFFFFFC00  }
0x218: {  	p0 =	sne.s32 s18, s10;
	_ =	swait.ge [sflag:s14], $0x400  }
.Ltmp1:
0x219: {  	[sflag:s14] =	ssyncset.done $0x0;
	(pc) =	sbr.rel @p0 .LBB2_1-.Ltmp1, $4  }
0x21a: {  	[sflag:s14] =	ssyncadd.s32 $0xFFFFFC00  }
0x21b: {  	_ =	swait.ge [sflag:s14], $0x400  }
0x21c: {  	[sflag:s14] =	ssyncset.done $0x0  }
0x21d: {  	[sflag:s14] =	ssyncadd.s32 $0xFFFFFC00  }
0x21e: {  	_ =	sfence.sel $0x180000  }
0x21f: {  	[bflag:$0x0] =	sbarrier.arrive $0xFFFF  }
0x220: {  	p0 =	sne.s32 s1, $0x0;
	_ =	strace $0x90000047  }
0x221: {  	s0 =	sadd.s32 @!p0 $0x100000, s0;
	[bflag:$0x2] =	sbarrier.arrive $0xFFFF  }
0x222: {  	[sflag:s0] =	ssyncadd.tile.s32 @!p0 $0x1;
	_ =	shalt  }
.Lfunc_end2:
_tile_overlayer_lowered:
.L_overlay_start_2:
0x223: {  	(tag) =	ssettag $0x2  }
0x224: {  	s0 =	rddreg [dreg:$0x0];
	s2 =	stileid.u32  }
0x225: {  	s1 =	rddreg [dreg:$0x1];
	p0 =	sne.s32 s2, $0x0  }
0x226: {  	s3 =	rddreg [dreg:$0x2];
	[bflag:$0x3] =	sbarrier.arrive $0xFFFF;
	s2 =	simm.s32 @!p0 $0x1C02  }
0x227: {  	[timem:s3], [sflag:s2] =	dma.local @!p0 [hbm:s0], s1  }
0x228: {  	s0 =	simm.s32 @!p0 $0x2  }
0x229: {  	_ =	swait.ge @!p0 [sflag:s0], s1  }
0x22a: {  	s1 =	ssub.s32 @!p0 $0x0, s1;
	[sflag:s0] =	ssyncset.done @!p0 $0x0  }
0x22b: {  	[sflag:s0] =	ssyncadd.s32 @!p0 s1  }
0x22c: {  	[bflag:$0x3] =	sbarrier.arrive $0xFFFF  }
0x22d: {  	_ =	shalt  }

</sc_bundles>
